<compile_context>
chip_gen: v7x
topology: tpu7x:2x2x1
jax: 0.10.2.dev20260603
libtpu: 0.0.44.dev20260713+nightly
codegen_flags: <defaults>
</compile_context>

<pallas_src>
import functools

import jax
import jax.numpy as jnp
from jax import lax
from jax.experimental import pallas as pl
from jax.experimental.pallas import tpu as pltpu
from jax.experimental.pallas import tpu_sc as plsc

N_NODES = 10000
D = 128
NC = 2
NS = 16
NW = NC * NS
CHUNK = 88
N_PAD = 10112
ROWS_PER_SUB = N_PAD // NS


def _sc_scatter(x, src3, dst3, n_chunks):
    mesh = plsc.VectorSubcoreMesh(core_axis_name="c", subcore_axis_name="s")

    @functools.partial(
        pl.kernel,
        mesh=mesh,
        out_type=jax.ShapeDtypeStruct((NC, N_PAD, D), jnp.float32),
        scratch_types=[
            pltpu.VMEM((CHUNK, D), jnp.float32),
            pltpu.VMEM((CHUNK, D), jnp.float32),
            pltpu.VMEM((CHUNK, D), jnp.float32),
            pltpu.VMEM((n_chunks // 2, CHUNK), jnp.int32),
            pltpu.VMEM((n_chunks // 2, CHUNK), jnp.int32),
            pltpu.VMEM_SHARED((N_PAD, D), jnp.float32),
            pltpu.SemaphoreType.DMA,
            pltpu.SemaphoreType.DMA,
            pltpu.SemaphoreType.DMA,
        ],
    )
    def k(x_hbm, src_hbm, dst_hbm, out_hbm,
          rows0, rows1, rows2, src_v, dst_v, h_sh, sem0, sem1, sem2):
        c = lax.axis_index("c")
        s = lax.axis_index("s")
        wid = s * NC + c
        half_n = n_chunks // 2

        def zero_body(i, carry):
            r = i // (D // 16)
            col = (i % (D // 16)) * 16
            rows0[r, pl.ds(col, 16)] = jnp.zeros((16,), jnp.float32)
            return carry
        lax.fori_loop(0, CHUNK * (D // 16), zero_body, 0)
        full, rem = divmod(ROWS_PER_SUB, CHUNK)
        for t in range(full):
            pltpu.sync_copy(
                rows0, h_sh.at[pl.ds(s * ROWS_PER_SUB + t * CHUNK, CHUNK)])
        if rem:
            pltpu.sync_copy(
                rows0.at[pl.ds(0, rem)],
                h_sh.at[pl.ds(s * ROWS_PER_SUB + full * CHUNK, rem)])
        plsc.subcore_barrier()

        bufs = (rows0, rows1, rows2)
        sems = (sem0, sem1, sem2)
        for half in range(2):
            pltpu.sync_copy(src_hbm.at[wid * 2 + half], src_v)
            pltpu.sync_copy(dst_hbm.at[wid * 2 + half], dst_v)
            pltpu.async_copy(x_hbm.at[src_v.at[0]], rows0, sem0)
            pltpu.async_copy(x_hbm.at[src_v.at[1]], rows1, sem1)

            def body(i, carry):
                j = i * 3
                for t in range(3):
                    buf, sem = bufs[t], sems[t]
                    nbuf, nsem = bufs[(t + 2) % 3], sems[(t + 2) % 3]
                    pltpu.make_async_copy(
                        x_hbm.at[src_v.at[0]], buf, sem).wait()
                    jnext = lax.min(j + t + 2, half_n - 1)
                    pltpu.async_copy(x_hbm.at[src_v.at[jnext]], nbuf, nsem)
                    pltpu.sync_copy(buf, h_sh.at[dst_v.at[j + t]], add=True)
                return carry
            lax.fori_loop(0, half_n // 3, body, 0)
            pltpu.make_async_copy(x_hbm.at[src_v.at[0]], rows0, sem0).wait()
            pltpu.make_async_copy(x_hbm.at[src_v.at[0]], rows1, sem1).wait()
        plsc.subcore_barrier()

        pltpu.sync_copy(
            h_sh.at[pl.ds(s * ROWS_PER_SUB, ROWS_PER_SUB)],
            out_hbm.at[c, pl.ds(s * ROWS_PER_SUB, ROWS_PER_SUB)])

    return k(x, src3, dst3)


def _tc_linear(parts, W, b):
    BR = 1000

    def body(p_ref, w_ref, b_ref, o_ref):
        h = p_ref[0] + p_ref[1]
        o_ref[...] = lax.dot_general(
            h, w_ref[...], (((1,), (1,)), ((), ())),
            preferred_element_type=jnp.float32) + b_ref[...]

    return pl.pallas_call(
        body,
        grid=(N_NODES // BR,),
        in_specs=[
            pl.BlockSpec((NC, BR, D), lambda i: (0, i, 0)),
            pl.BlockSpec((D, D), lambda i: (0, 0)),
            pl.BlockSpec((1, D), lambda i: (0, 0)),
        ],
        out_specs=pl.BlockSpec((BR, D), lambda i: (i, 0)),
        out_shape=jax.ShapeDtypeStruct((N_NODES, D), jnp.float32),
    )(parts, W, b.reshape(1, D))


def kernel(inputs, edge_index, W, b):
    src = edge_index[0]
    dst = edge_index[1]
    e = src.shape[0]
    n_chunks = -(-e // (NW * CHUNK))
    n_chunks += -n_chunks % 6
    e_pad = NW * CHUNK * n_chunks
    pad = e_pad - e
    pad_src = jnp.arange(pad, dtype=jnp.int32) % N_NODES
    src_p = jnp.concatenate([src.astype(jnp.int32), pad_src])
    sink = N_NODES + jnp.arange(pad, dtype=jnp.int32) % (N_PAD - N_NODES)
    dst_p = jnp.concatenate([dst.astype(jnp.int32), sink])
    src3 = src_p.reshape(NW * 2, n_chunks // 2, CHUNK)
    dst3 = dst_p.reshape(NW * 2, n_chunks // 2, CHUNK)
    parts = _sc_scatter(inputs, src3, dst3, n_chunks)
    return _tc_linear(parts, W, b)

# --- scband reference (transcript-rebuilt; emitter-appended) ---
"""Pipeline reference for scband-gcnlayer-1657857376311 (READ-ONLY COPY).

The authoritative reference and input builder live on the scoring server;
editing this copy changes nothing except your own understanding.
"""

import jax, jax.numpy as jnp
import numpy as np

N_NODES = 10000
N_EDGES = 320000
D_IN = 128
D_OUT = 128


def setup_inputs(seed: int = 0) -> dict:
    key = jax.random.key(seed)
    k1, k2, k3, k4 = jax.random.split(key, 4)
    x = jax.random.normal(k1, (N_NODES, D_IN), dtype=jnp.float32)
    edge_index = jax.random.randint(k2, (2, N_EDGES), 0, N_NODES)
    # nn.Linear params: W [out, in], b [out]
    W = jax.random.normal(k3, (D_OUT, D_IN), dtype=jnp.float32) * (1.0 / np.sqrt(D_IN))
    b = jax.random.normal(k4, (D_OUT,), dtype=jnp.float32) * 0.01
    return {"inputs": x, "edge_index": edge_index, "W": W, "b": b}


def reference(inputs, edge_index, W, b):
    # GCN message passing: each edge carries src node features ('msg'),
    # each node sums incoming messages, then a Linear layer is applied.
    src = edge_index[0]
    dst = edge_index[1]
    msg = jnp.take(inputs, src, axis=0)            # gather src features per edge
    h = jax.ops.segment_sum(msg, dst, num_segments=inputs.shape[0])  # scatter-add to dst
    out = h @ W.T + b                               # nn.Linear
    return out

if __name__ == "__main__":
    import jax
    _d = setup_inputs()
    print(jax.jit(kernel)(*tuple(_d.values())))

</pallas_src>

<mosaic_0001>
#map = affine_map<(d0, d1) -> (0, 0)>
#map1 = affine_map<(d0, d1) -> (0, 0, 0)>
module attributes {stable_mosaic.version = 14 : i64} {
  func.func @k(%arg0: i32, %arg1: i32, %arg2: memref<10000x128xf32, #tpu.memory_space<hbm>>, %arg3: memref<64x57x88xi32, #tpu.memory_space<hbm>>, %arg4: memref<64x57x88xi32, #tpu.memory_space<hbm>>, %arg5: memref<2x10112x128xf32, #tpu.memory_space<hbm>>, %arg6: memref<88x128xf32, #tpu.memory_space<vmem>>, %arg7: memref<88x128xf32, #tpu.memory_space<vmem>>, %arg8: memref<88x128xf32, #tpu.memory_space<vmem>>, %arg9: memref<57x88xi32, #tpu.memory_space<vmem>>, %arg10: memref<57x88xi32, #tpu.memory_space<vmem>>, %arg11: memref<10112x128xf32, #tpu.memory_space<vmem_shared>>, %arg12: memref<!tpu.dma_semaphore, #tpu.memory_space<semaphore_mem>>, %arg13: memref<!tpu.dma_semaphore, #tpu.memory_space<semaphore_mem>>, %arg14: memref<!tpu.dma_semaphore, #tpu.memory_space<semaphore_mem>>) attributes {dimension_semantics = [#tpu.dimension_semantics<core_parallel>, #tpu.dimension_semantics<subcore_parallel>], iteration_bounds = array<i64: 2, 16>, scalar_prefetch = 0 : i64, scratch_operands = 9 : i64, tpu.core_type = #tpu.core_type<sc_vector_subcore>, window_params = [{transform_indices = #map}, {transform_indices = #map1}, {transform_indices = #map1}, {transform_indices = #map1}]} {
    %mul3A = arith.constant 2 : i32
    %mul3A_0 = arith.muli %arg1, %mul3A : i32
    %add3A = arith.addi %mul3A_0, %arg0 : i32
    %scan3A = arith.constant 0 : i32
    %scan3A_1 = arith.constant 0 : i32
    %scan3A_2 = arith.constant 704 : i32
    %scan3A_3 = arith.addi %scan3A_1, %scan3A_2 : i32
    %scan3A_4 = arith.constant 1 : i32
    scf.for %scan3A_125 = %scan3A_1 to %scan3A_3 step %scan3A_4  : i32 {
      %jit3A = arith.constant 8 : i32
      %div3A = arith.divsi %scan3A_125, %jit3A : i32
      %sign3A = arith.constant 0 : i32
      %sign3A_126 = arith.cmpi sgt, %scan3A_125, %sign3A : i32
      %sign3A_127 = arith.extui %sign3A_126 : i1 to i32
      %sign3A_128 = arith.constant 0 : i32
      %sign3A_129 = arith.cmpi slt, %scan3A_125, %sign3A_128 : i32
      %sign3A_130 = arith.extui %sign3A_129 : i1 to i32
      %sign3A_131 = arith.subi %sign3A_127, %sign3A_130 : i32
      %sign3A_132 = arith.constant 0 : i32
      %sign3A_133 = arith.cmpi sgt, %jit3A, %sign3A_132 : i32
      %sign3A_134 = arith.extui %sign3A_133 : i1 to i32
      %sign3A_135 = arith.constant 0 : i32
      %sign3A_136 = arith.cmpi slt, %jit3A, %sign3A_135 : i32
      %sign3A_137 = arith.extui %sign3A_136 : i1 to i32
      %sign3A_138 = arith.subi %sign3A_134, %sign3A_137 : i32
      %ne3A = arith.cmpi ne, %sign3A_131, %sign3A_138 : i32
      %rem3A = arith.remsi %scan3A_125, %jit3A : i32
      %ne3A_139 = arith.constant 0 : i32
      %ne3A_140 = arith.cmpi ne, %rem3A, %ne3A_139 : i32
      %and3A = arith.andi %ne3A, %ne3A_140 : i1
      %sub3A = arith.constant 1 : i32
      %sub3A_141 = arith.subi %div3A, %sub3A : i32
      %select_n3A = arith.select %and3A, %sub3A_141, %div3A : i32
      %jit3A_142 = arith.constant 8 : i32
      %eq3A = arith.constant 0 : i32
      %eq3A_143 = arith.cmpi eq, %jit3A_142, %eq3A : i32
      %jit3A_144 = arith.constant 1 : i32
      %select_n3A_145 = arith.select %eq3A_143, %jit3A_144, %jit3A_142 : i32
      %rem3A_146 = arith.remsi %scan3A_125, %select_n3A_145 : i32
      %ne3A_147 = arith.constant 0 : i32
      %ne3A_148 = arith.cmpi ne, %rem3A_146, %ne3A_147 : i32
      %lt3A = arith.constant 0 : i32
      %lt3A_149 = arith.cmpi slt, %rem3A_146, %lt3A : i32
      %lt3A_150 = arith.constant 0 : i32
      %lt3A_151 = arith.cmpi slt, %select_n3A_145, %lt3A_150 : i32
      %ne3A_152 = arith.xori %lt3A_149, %lt3A_151 : i1
      %and3A_153 = arith.andi %ne3A_152, %ne3A_148 : i1
      %add3A_154 = arith.addi %rem3A_146, %select_n3A_145 : i32
      %select_n3A_155 = arith.select %and3A_153, %add3A_154, %rem3A_146 : i32
      %mul3A_156 = arith.constant 16 : i32
      %mul3A_157 = arith.muli %select_n3A_155, %mul3A_156 : i32
      %broadcast_in_dim3A = arith.constant 0.000000e+00 : f32
      %broadcast_in_dim3A_158 = vector.broadcast %broadcast_in_dim3A : f32 to vector<16xf32>
      %swap3A = arith.index_cast %select_n3A : i32 to index
      %swap3A_159 = arith.index_cast %mul3A_157 : i32 to index
      %swap3A_160 = tpu.vector_load %arg6[%swap3A, %swap3A_159] {strides = array<i32>} : memref<88x128xf32, #tpu.memory_space<vmem>>, vector<1x16xf32>,
      %swap3A_161 = vector.shape_cast %swap3A_160 : vector<1x16xf32> to vector<16xf32>
      %swap3A_162 = vector.shape_cast %broadcast_in_dim3A_158 : vector<16xf32> to vector<1x16xf32>
      tpu.vector_store %arg6[%swap3A, %swap3A_159], %swap3A_162 {strides = array<i32>} : memref<88x128xf32, #tpu.memory_space<vmem>>, vector<1x16xf32>,
    }
    %scan3A_5 = arith.constant 704 : i32
    %mul3A_6 = arith.constant 632 : i32
    %mul3A_7 = arith.muli %arg1, %mul3A_6 : i32
    %add3A_8 = arith.constant 0 : i32
    %add3A_9 = arith.addi %mul3A_7, %add3A_8 : i32
    "tpu.region"() ({
      %run_scoped3A = tpu.sem_alloc : memref<!tpu.dma_semaphore, #tpu.memory_space<semaphore_mem>>
      %dma_start3A_125 = arith.constant 0 : i32
      %dma_start3A_126 = tpu.memref_slice %arg11[%add3A_9, %dma_start3A_125] : memref<10112x128xf32, #tpu.memory_space<vmem_shared>> -> memref<88x128xf32, #tpu.memory_space<vmem_shared>>
      %dma_start3A_127 = arith.constant 0 : i32
      %dma_start3A_128 = tpu.memref_slice %arg11[%add3A_9, %dma_start3A_127] : memref<10112x128xf32, #tpu.memory_space<vmem_shared>> -> memref<88x128xf32, #tpu.memory_space<vmem_shared>>
      tpu.enqueue_dma source(%arg6 : memref<88x128xf32, #tpu.memory_space<vmem>>) target(%dma_start3A_128 : memref<88x128xf32, #tpu.memory_space<vmem_shared>>) target_semaphore(%run_scoped3A : memref<!tpu.dma_semaphore, #tpu.memory_space<semaphore_mem>>)
      %dma_wait3A_129 = arith.constant 0 : i32
      %dma_wait3A_130 = tpu.memref_slice %arg11[%add3A_9, %dma_wait3A_129] : memref<10112x128xf32, #tpu.memory_space<vmem_shared>> -> memref<88x128xf32, #tpu.memory_space<vmem_shared>>
      %dma_wait3A_131 = arith.constant 0 : i32
      %dma_wait3A_132 = tpu.memref_slice %arg11[%add3A_9, %dma_wait3A_131] : memref<10112x128xf32, #tpu.memory_space<vmem_shared>> -> memref<88x128xf32, #tpu.memory_space<vmem_shared>>
      tpu.wait_dma2 semaphore(%run_scoped3A : memref<!tpu.dma_semaphore, #tpu.memory_space<semaphore_mem>>) src(%arg6 : memref<88x128xf32, #tpu.memory_space<vmem>>) dst(%dma_wait3A_132 : memref<88x128xf32, #tpu.memory_space<vmem_shared>>)
      tpu.yield
    }) : () -> ()
    %mul3A_10 = arith.constant 632 : i32
    %mul3A_11 = arith.muli %arg1, %mul3A_10 : i32
    %add3A_12 = arith.constant 88 : i32
    %add3A_13 = arith.addi %mul3A_11, %add3A_12 : i32
    "tpu.region"() ({
      %run_scoped3A = tpu.sem_alloc : memref<!tpu.dma_semaphore, #tpu.memory_space<semaphore_mem>>
      %dma_start3A_125 = arith.constant 0 : i32
      %dma_start3A_126 = tpu.memref_slice %arg11[%add3A_13, %dma_start3A_125] : memref<10112x128xf32, #tpu.memory_space<vmem_shared>> -> memref<88x128xf32, #tpu.memory_space<vmem_shared>>
      %dma_start3A_127 = arith.constant 0 : i32
      %dma_start3A_128 = tpu.memref_slice %arg11[%add3A_13, %dma_start3A_127] : memref<10112x128xf32, #tpu.memory_space<vmem_shared>> -> memref<88x128xf32, #tpu.memory_space<vmem_shared>>
      tpu.enqueue_dma source(%arg6 : memref<88x128xf32, #tpu.memory_space<vmem>>) target(%dma_start3A_128 : memref<88x128xf32, #tpu.memory_space<vmem_shared>>) target_semaphore(%run_scoped3A : memref<!tpu.dma_semaphore, #tpu.memory_space<semaphore_mem>>)
      %dma_wait3A_129 = arith.constant 0 : i32
      %dma_wait3A_130 = tpu.memref_slice %arg11[%add3A_13, %dma_wait3A_129] : memref<10112x128xf32, #tpu.memory_space<vmem_shared>> -> memref<88x128xf32, #tpu.memory_space<vmem_shared>>
      %dma_wait3A_131 = arith.constant 0 : i32
      %dma_wait3A_132 = tpu.memref_slice %arg11[%add3A_13, %dma_wait3A_131] : memref<10112x128xf32, #tpu.memory_space<vmem_shared>> -> memref<88x128xf32, #tpu.memory_space<vmem_shared>>
      tpu.wait_dma2 semaphore(%run_scoped3A : memref<!tpu.dma_semaphore, #tpu.memory_space<semaphore_mem>>) src(%arg6 : memref<88x128xf32, #tpu.memory_space<vmem>>) dst(%dma_wait3A_132 : memref<88x128xf32, #tpu.memory_space<vmem_shared>>)
      tpu.yield
    }) : () -> ()
    %mul3A_14 = arith.constant 632 : i32
    %mul3A_15 = arith.muli %arg1, %mul3A_14 : i32
    %add3A_16 = arith.constant 176 : i32
    %add3A_17 = arith.addi %mul3A_15, %add3A_16 : i32
    "tpu.region"() ({
      %run_scoped3A = tpu.sem_alloc : memref<!tpu.dma_semaphore, #tpu.memory_space<semaphore_mem>>
      %dma_start3A_125 = arith.constant 0 : i32
      %dma_start3A_126 = tpu.memref_slice %arg11[%add3A_17, %dma_start3A_125] : memref<10112x128xf32, #tpu.memory_space<vmem_shared>> -> memref<88x128xf32, #tpu.memory_space<vmem_shared>>
      %dma_start3A_127 = arith.constant 0 : i32
      %dma_start3A_128 = tpu.memref_slice %arg11[%add3A_17, %dma_start3A_127] : memref<10112x128xf32, #tpu.memory_space<vmem_shared>> -> memref<88x128xf32, #tpu.memory_space<vmem_shared>>
      tpu.enqueue_dma source(%arg6 : memref<88x128xf32, #tpu.memory_space<vmem>>) target(%dma_start3A_128 : memref<88x128xf32, #tpu.memory_space<vmem_shared>>) target_semaphore(%run_scoped3A : memref<!tpu.dma_semaphore, #tpu.memory_space<semaphore_mem>>)
      %dma_wait3A_129 = arith.constant 0 : i32
      %dma_wait3A_130 = tpu.memref_slice %arg11[%add3A_17, %dma_wait3A_129] : memref<10112x128xf32, #tpu.memory_space<vmem_shared>> -> memref<88x128xf32, #tpu.memory_space<vmem_shared>>
      %dma_wait3A_131 = arith.constant 0 : i32
      %dma_wait3A_132 = tpu.memref_slice %arg11[%add3A_17, %dma_wait3A_131] : memref<10112x128xf32, #tpu.memory_space<vmem_shared>> -> memref<88x128xf32, #tpu.memory_space<vmem_shared>>
      tpu.wait_dma2 semaphore(%run_scoped3A : memref<!tpu.dma_semaphore, #tpu.memory_space<semaphore_mem>>) src(%arg6 : memref<88x128xf32, #tpu.memory_space<vmem>>) dst(%dma_wait3A_132 : memref<88x128xf32, #tpu.memory_space<vmem_shared>>)
      tpu.yield
    }) : () -> ()
    %mul3A_18 = arith.constant 632 : i32
    %mul3A_19 = arith.muli %arg1, %mul3A_18 : i32
    %add3A_20 = arith.constant 264 : i32
    %add3A_21 = arith.addi %mul3A_19, %add3A_20 : i32
    "tpu.region"() ({
      %run_scoped3A = tpu.sem_alloc : memref<!tpu.dma_semaphore, #tpu.memory_space<semaphore_mem>>
      %dma_start3A_125 = arith.constant 0 : i32
      %dma_start3A_126 = tpu.memref_slice %arg11[%add3A_21, %dma_start3A_125] : memref<10112x128xf32, #tpu.memory_space<vmem_shared>> -> memref<88x128xf32, #tpu.memory_space<vmem_shared>>
      %dma_start3A_127 = arith.constant 0 : i32
      %dma_start3A_128 = tpu.memref_slice %arg11[%add3A_21, %dma_start3A_127] : memref<10112x128xf32, #tpu.memory_space<vmem_shared>> -> memref<88x128xf32, #tpu.memory_space<vmem_shared>>
      tpu.enqueue_dma source(%arg6 : memref<88x128xf32, #tpu.memory_space<vmem>>) target(%dma_start3A_128 : memref<88x128xf32, #tpu.memory_space<vmem_shared>>) target_semaphore(%run_scoped3A : memref<!tpu.dma_semaphore, #tpu.memory_space<semaphore_mem>>)
      %dma_wait3A_129 = arith.constant 0 : i32
      %dma_wait3A_130 = tpu.memref_slice %arg11[%add3A_21, %dma_wait3A_129] : memref<10112x128xf32, #tpu.memory_space<vmem_shared>> -> memref<88x128xf32, #tpu.memory_space<vmem_shared>>
      %dma_wait3A_131 = arith.constant 0 : i32
      %dma_wait3A_132 = tpu.memref_slice %arg11[%add3A_21, %dma_wait3A_131] : memref<10112x128xf32, #tpu.memory_space<vmem_shared>> -> memref<88x128xf32, #tpu.memory_space<vmem_shared>>
      tpu.wait_dma2 semaphore(%run_scoped3A : memref<!tpu.dma_semaphore, #tpu.memory_space<semaphore_mem>>) src(%arg6 : memref<88x128xf32, #tpu.memory_space<vmem>>) dst(%dma_wait3A_132 : memref<88x128xf32, #tpu.memory_space<vmem_shared>>)
      tpu.yield
    }) : () -> ()
    %mul3A_22 = arith.constant 632 : i32
    %mul3A_23 = arith.muli %arg1, %mul3A_22 : i32
    %add3A_24 = arith.constant 352 : i32
    %add3A_25 = arith.addi %mul3A_23, %add3A_24 : i32
    "tpu.region"() ({
      %run_scoped3A = tpu.sem_alloc : memref<!tpu.dma_semaphore, #tpu.memory_space<semaphore_mem>>
      %dma_start3A_125 = arith.constant 0 : i32
      %dma_start3A_126 = tpu.memref_slice %arg11[%add3A_25, %dma_start3A_125] : memref<10112x128xf32, #tpu.memory_space<vmem_shared>> -> memref<88x128xf32, #tpu.memory_space<vmem_shared>>
      %dma_start3A_127 = arith.constant 0 : i32
      %dma_start3A_128 = tpu.memref_slice %arg11[%add3A_25, %dma_start3A_127] : memref<10112x128xf32, #tpu.memory_space<vmem_shared>> -> memref<88x128xf32, #tpu.memory_space<vmem_shared>>
      tpu.enqueue_dma source(%arg6 : memref<88x128xf32, #tpu.memory_space<vmem>>) target(%dma_start3A_128 : memref<88x128xf32, #tpu.memory_space<vmem_shared>>) target_semaphore(%run_scoped3A : memref<!tpu.dma_semaphore, #tpu.memory_space<semaphore_mem>>)
      %dma_wait3A_129 = arith.constant 0 : i32
      %dma_wait3A_130 = tpu.memref_slice %arg11[%add3A_25, %dma_wait3A_129] : memref<10112x128xf32, #tpu.memory_space<vmem_shared>> -> memref<88x128xf32, #tpu.memory_space<vmem_shared>>
      %dma_wait3A_131 = arith.constant 0 : i32
      %dma_wait3A_132 = tpu.memref_slice %arg11[%add3A_25, %dma_wait3A_131] : memref<10112x128xf32, #tpu.memory_space<vmem_shared>> -> memref<88x128xf32, #tpu.memory_space<vmem_shared>>
      tpu.wait_dma2 semaphore(%run_scoped3A : memref<!tpu.dma_semaphore, #tpu.memory_space<semaphore_mem>>) src(%arg6 : memref<88x128xf32, #tpu.memory_space<vmem>>) dst(%dma_wait3A_132 : memref<88x128xf32, #tpu.memory_space<vmem_shared>>)
      tpu.yield
    }) : () -> ()
    %mul3A_26 = arith.constant 632 : i32
    %mul3A_27 = arith.muli %arg1, %mul3A_26 : i32
    %add3A_28 = arith.constant 440 : i32
    %add3A_29 = arith.addi %mul3A_27, %add3A_28 : i32
    "tpu.region"() ({
      %run_scoped3A = tpu.sem_alloc : memref<!tpu.dma_semaphore, #tpu.memory_space<semaphore_mem>>
      %dma_start3A_125 = arith.constant 0 : i32
      %dma_start3A_126 = tpu.memref_slice %arg11[%add3A_29, %dma_start3A_125] : memref<10112x128xf32, #tpu.memory_space<vmem_shared>> -> memref<88x128xf32, #tpu.memory_space<vmem_shared>>
      %dma_start3A_127 = arith.constant 0 : i32
      %dma_start3A_128 = tpu.memref_slice %arg11[%add3A_29, %dma_start3A_127] : memref<10112x128xf32, #tpu.memory_space<vmem_shared>> -> memref<88x128xf32, #tpu.memory_space<vmem_shared>>
      tpu.enqueue_dma source(%arg6 : memref<88x128xf32, #tpu.memory_space<vmem>>) target(%dma_start3A_128 : memref<88x128xf32, #tpu.memory_space<vmem_shared>>) target_semaphore(%run_scoped3A : memref<!tpu.dma_semaphore, #tpu.memory_space<semaphore_mem>>)
      %dma_wait3A_129 = arith.constant 0 : i32
      %dma_wait3A_130 = tpu.memref_slice %arg11[%add3A_29, %dma_wait3A_129] : memref<10112x128xf32, #tpu.memory_space<vmem_shared>> -> memref<88x128xf32, #tpu.memory_space<vmem_shared>>
      %dma_wait3A_131 = arith.constant 0 : i32
      %dma_wait3A_132 = tpu.memref_slice %arg11[%add3A_29, %dma_wait3A_131] : memref<10112x128xf32, #tpu.memory_space<vmem_shared>> -> memref<88x128xf32, #tpu.memory_space<vmem_shared>>
      tpu.wait_dma2 semaphore(%run_scoped3A : memref<!tpu.dma_semaphore, #tpu.memory_space<semaphore_mem>>) src(%arg6 : memref<88x128xf32, #tpu.memory_space<vmem>>) dst(%dma_wait3A_132 : memref<88x128xf32, #tpu.memory_space<vmem_shared>>)
      tpu.yield
    }) : () -> ()
    %mul3A_30 = arith.constant 632 : i32
    %mul3A_31 = arith.muli %arg1, %mul3A_30 : i32
    %add3A_32 = arith.constant 528 : i32
    %add3A_33 = arith.addi %mul3A_31, %add3A_32 : i32
    "tpu.region"() ({
      %run_scoped3A = tpu.sem_alloc : memref<!tpu.dma_semaphore, #tpu.memory_space<semaphore_mem>>
      %dma_start3A_125 = arith.constant 0 : i32
      %dma_start3A_126 = tpu.memref_slice %arg11[%add3A_33, %dma_start3A_125] : memref<10112x128xf32, #tpu.memory_space<vmem_shared>> -> memref<88x128xf32, #tpu.memory_space<vmem_shared>>
      %dma_start3A_127 = arith.constant 0 : i32
      %dma_start3A_128 = tpu.memref_slice %arg11[%add3A_33, %dma_start3A_127] : memref<10112x128xf32, #tpu.memory_space<vmem_shared>> -> memref<88x128xf32, #tpu.memory_space<vmem_shared>>
      tpu.enqueue_dma source(%arg6 : memref<88x128xf32, #tpu.memory_space<vmem>>) target(%dma_start3A_128 : memref<88x128xf32, #tpu.memory_space<vmem_shared>>) target_semaphore(%run_scoped3A : memref<!tpu.dma_semaphore, #tpu.memory_space<semaphore_mem>>)
      %dma_wait3A_129 = arith.constant 0 : i32
      %dma_wait3A_130 = tpu.memref_slice %arg11[%add3A_33, %dma_wait3A_129] : memref<10112x128xf32, #tpu.memory_space<vmem_shared>> -> memref<88x128xf32, #tpu.memory_space<vmem_shared>>
      %dma_wait3A_131 = arith.constant 0 : i32
      %dma_wait3A_132 = tpu.memref_slice %arg11[%add3A_33, %dma_wait3A_131] : memref<10112x128xf32, #tpu.memory_space<vmem_shared>> -> memref<88x128xf32, #tpu.memory_space<vmem_shared>>
      tpu.wait_dma2 semaphore(%run_scoped3A : memref<!tpu.dma_semaphore, #tpu.memory_space<semaphore_mem>>) src(%arg6 : memref<88x128xf32, #tpu.memory_space<vmem>>) dst(%dma_wait3A_132 : memref<88x128xf32, #tpu.memory_space<vmem_shared>>)
      tpu.yield
    }) : () -> ()
    %mul3A_34 = arith.constant 632 : i32
    %mul3A_35 = arith.muli %arg1, %mul3A_34 : i32
    %add3A_36 = arith.constant 616 : i32
    %add3A_37 = arith.addi %mul3A_35, %add3A_36 : i32
    "tpu.region"() ({
      %run_scoped3A = tpu.sem_alloc : memref<!tpu.dma_semaphore, #tpu.memory_space<semaphore_mem>>
      %dma_start3A_125 = arith.constant 0 : i32
      %dma_start3A_126 = arith.constant 0 : i32
      %dma_start3A_127 = tpu.memref_slice %arg6[%dma_start3A_125, %dma_start3A_126] : memref<88x128xf32, #tpu.memory_space<vmem>> -> memref<16x128xf32, #tpu.memory_space<vmem>>
      %dma_start3A_128 = arith.constant 0 : i32
      %dma_start3A_129 = tpu.memref_slice %arg11[%add3A_37, %dma_start3A_128] : memref<10112x128xf32, #tpu.memory_space<vmem_shared>> -> memref<16x128xf32, #tpu.memory_space<vmem_shared>>
      %dma_start3A_130 = arith.constant 0 : i32
      %dma_start3A_131 = tpu.memref_slice %arg11[%add3A_37, %dma_start3A_130] : memref<10112x128xf32, #tpu.memory_space<vmem_shared>> -> memref<16x128xf32, #tpu.memory_space<vmem_shared>>
      %dma_start3A_132 = arith.constant 0 : i32
      %dma_start3A_133 = arith.constant 0 : i32
      %dma_start3A_134 = tpu.memref_slice %arg6[%dma_start3A_132, %dma_start3A_133] : memref<88x128xf32, #tpu.memory_space<vmem>> -> memref<16x128xf32, #tpu.memory_space<vmem>>
      tpu.enqueue_dma source(%dma_start3A_134 : memref<16x128xf32, #tpu.memory_space<vmem>>) target(%dma_start3A_131 : memref<16x128xf32, #tpu.memory_space<vmem_shared>>) target_semaphore(%run_scoped3A : memref<!tpu.dma_semaphore, #tpu.memory_space<semaphore_mem>>)
      %dma_wait3A_135 = arith.constant 0 : i32
      %dma_wait3A_136 = arith.constant 0 : i32
      %dma_wait3A_137 = tpu.memref_slice %arg6[%dma_wait3A_135, %dma_wait3A_136] : memref<88x128xf32, #tpu.memory_space<vmem>> -> memref<16x128xf32, #tpu.memory_space<vmem>>
      %dma_wait3A_138 = arith.constant 0 : i32
      %dma_wait3A_139 = tpu.memref_slice %arg11[%add3A_37, %dma_wait3A_138] : memref<10112x128xf32, #tpu.memory_space<vmem_shared>> -> memref<16x128xf32, #tpu.memory_space<vmem_shared>>
      %dma_wait3A_140 = arith.constant 0 : i32
      %dma_wait3A_141 = tpu.memref_slice %arg11[%add3A_37, %dma_wait3A_140] : memref<10112x128xf32, #tpu.memory_space<vmem_shared>> -> memref<16x128xf32, #tpu.memory_space<vmem_shared>>
      %dma_wait3A_142 = arith.constant 0 : i32
      %dma_wait3A_143 = arith.constant 0 : i32
      %dma_wait3A_144 = tpu.memref_slice %arg6[%dma_wait3A_142, %dma_wait3A_143] : memref<88x128xf32, #tpu.memory_space<vmem>> -> memref<16x128xf32, #tpu.memory_space<vmem>>
      tpu.wait_dma2 semaphore(%run_scoped3A : memref<!tpu.dma_semaphore, #tpu.memory_space<semaphore_mem>>) src(%dma_wait3A_144 : memref<16x128xf32, #tpu.memory_space<vmem>>) dst(%dma_wait3A_141 : memref<16x128xf32, #tpu.memory_space<vmem_shared>>)
      tpu.yield
    }) : () -> ()
    %barrier3A = arith.constant 0 : index
    tpu.barrier barrier_id(%barrier3A)
    %mul3A_38 = arith.constant 2 : i32
    %mul3A_39 = arith.muli %add3A, %mul3A_38 : i32
    %add3A_40 = arith.constant 0 : i32
    %add3A_41 = arith.addi %mul3A_39, %add3A_40 : i32
    "tpu.region"() ({
      %run_scoped3A = tpu.sem_alloc : memref<!tpu.dma_semaphore, #tpu.memory_space<semaphore_mem>>
      %dma_start3A_125 = arith.constant 0 : i32
      %dma_start3A_126 = arith.constant 0 : i32
      %dma_start3A_127 = tpu.memref_slice %arg3[%add3A_41, %dma_start3A_125, %dma_start3A_126] : memref<64x57x88xi32, #tpu.memory_space<hbm>> -> memref<1x57x88xi32, #tpu.memory_space<hbm>>
      %dma_start3A_128 = tpu.memref_squeeze %dma_start3A_127 : memref<1x57x88xi32, #tpu.memory_space<hbm>> -> memref<57x88xi32, #tpu.memory_space<hbm>>
      %dma_start3A_129 = arith.constant 0 : i32
      %dma_start3A_130 = arith.constant 0 : i32
      %dma_start3A_131 = tpu.memref_slice %arg3[%add3A_41, %dma_start3A_129, %dma_start3A_130] : memref<64x57x88xi32, #tpu.memory_space<hbm>> -> memref<1x57x88xi32, #tpu.memory_space<hbm>>
      %dma_start3A_132 = tpu.memref_squeeze %dma_start3A_131 : memref<1x57x88xi32, #tpu.memory_space<hbm>> -> memref<57x88xi32, #tpu.memory_space<hbm>>
      tpu.enqueue_dma source(%dma_start3A_132 : memref<57x88xi32, #tpu.memory_space<hbm>>) target(%arg9 : memref<57x88xi32, #tpu.memory_space<vmem>>) target_semaphore(%run_scoped3A : memref<!tpu.dma_semaphore, #tpu.memory_space<semaphore_mem>>)
      %dma_wait3A_133 = arith.constant 0 : i32
      %dma_wait3A_134 = arith.constant 0 : i32
      %dma_wait3A_135 = tpu.memref_slice %arg3[%add3A_41, %dma_wait3A_133, %dma_wait3A_134] : memref<64x57x88xi32, #tpu.memory_space<hbm>> -> memref<1x57x88xi32, #tpu.memory_space<hbm>>
      %dma_wait3A_136 = tpu.memref_squeeze %dma_wait3A_135 : memref<1x57x88xi32, #tpu.memory_space<hbm>> -> memref<57x88xi32, #tpu.memory_space<hbm>>
      %dma_wait3A_137 = arith.constant 0 : i32
      %dma_wait3A_138 = arith.constant 0 : i32
      %dma_wait3A_139 = tpu.memref_slice %arg3[%add3A_41, %dma_wait3A_137, %dma_wait3A_138] : memref<64x57x88xi32, #tpu.memory_space<hbm>> -> memref<1x57x88xi32, #tpu.memory_space<hbm>>
      %dma_wait3A_140 = tpu.memref_squeeze %dma_wait3A_139 : memref<1x57x88xi32, #tpu.memory_space<hbm>> -> memref<57x88xi32, #tpu.memory_space<hbm>>
      tpu.wait_dma2 semaphore(%run_scoped3A : memref<!tpu.dma_semaphore, #tpu.memory_space<semaphore_mem>>) src(%dma_wait3A_140 : memref<57x88xi32, #tpu.memory_space<hbm>>) dst(%arg9 : memref<57x88xi32, #tpu.memory_space<vmem>>)
      tpu.yield
    }) : () -> ()
    %mul3A_42 = arith.constant 2 : i32
    %mul3A_43 = arith.muli %add3A, %mul3A_42 : i32
    %add3A_44 = arith.constant 0 : i32
    %add3A_45 = arith.addi %mul3A_43, %add3A_44 : i32
    "tpu.region"() ({
      %run_scoped3A = tpu.sem_alloc : memref<!tpu.dma_semaphore, #tpu.memory_space<semaphore_mem>>
      %dma_start3A_125 = arith.constant 0 : i32
      %dma_start3A_126 = arith.constant 0 : i32
      %dma_start3A_127 = tpu.memref_slice %arg4[%add3A_45, %dma_start3A_125, %dma_start3A_126] : memref<64x57x88xi32, #tpu.memory_space<hbm>> -> memref<1x57x88xi32, #tpu.memory_space<hbm>>
      %dma_start3A_128 = tpu.memref_squeeze %dma_start3A_127 : memref<1x57x88xi32, #tpu.memory_space<hbm>> -> memref<57x88xi32, #tpu.memory_space<hbm>>
      %dma_start3A_129 = arith.constant 0 : i32
      %dma_start3A_130 = arith.constant 0 : i32
      %dma_start3A_131 = tpu.memref_slice %arg4[%add3A_45, %dma_start3A_129, %dma_start3A_130] : memref<64x57x88xi32, #tpu.memory_space<hbm>> -> memref<1x57x88xi32, #tpu.memory_space<hbm>>
      %dma_start3A_132 = tpu.memref_squeeze %dma_start3A_131 : memref<1x57x88xi32, #tpu.memory_space<hbm>> -> memref<57x88xi32, #tpu.memory_space<hbm>>
      tpu.enqueue_dma source(%dma_start3A_132 : memref<57x88xi32, #tpu.memory_space<hbm>>) target(%arg10 : memref<57x88xi32, #tpu.memory_space<vmem>>) target_semaphore(%run_scoped3A : memref<!tpu.dma_semaphore, #tpu.memory_space<semaphore_mem>>)
      %dma_wait3A_133 = arith.constant 0 : i32
      %dma_wait3A_134 = arith.constant 0 : i32
      %dma_wait3A_135 = tpu.memref_slice %arg4[%add3A_45, %dma_wait3A_133, %dma_wait3A_134] : memref<64x57x88xi32, #tpu.memory_space<hbm>> -> memref<1x57x88xi32, #tpu.memory_space<hbm>>
      %dma_wait3A_136 = tpu.memref_squeeze %dma_wait3A_135 : memref<1x57x88xi32, #tpu.memory_space<hbm>> -> memref<57x88xi32, #tpu.memory_space<hbm>>
      %dma_wait3A_137 = arith.constant 0 : i32
      %dma_wait3A_138 = arith.constant 0 : i32
      %dma_wait3A_139 = tpu.memref_slice %arg4[%add3A_45, %dma_wait3A_137, %dma_wait3A_138] : memref<64x57x88xi32, #tpu.memory_space<hbm>> -> memref<1x57x88xi32, #tpu.memory_space<hbm>>
      %dma_wait3A_140 = tpu.memref_squeeze %dma_wait3A_139 : memref<1x57x88xi32, #tpu.memory_space<hbm>> -> memref<57x88xi32, #tpu.memory_space<hbm>>
      tpu.wait_dma2 semaphore(%run_scoped3A : memref<!tpu.dma_semaphore, #tpu.memory_space<semaphore_mem>>) src(%dma_wait3A_140 : memref<57x88xi32, #tpu.memory_space<hbm>>) dst(%arg10 : memref<57x88xi32, #tpu.memory_space<vmem>>)
      tpu.yield
    }) : () -> ()
    %dma_start3A = arith.constant 0 : i32
    %dma_start3A_46 = arith.constant 0 : i32
    %dma_start3A_47 = tpu.memref_slice %arg9[%dma_start3A, %dma_start3A_46] : memref<57x88xi32, #tpu.memory_space<vmem>> -> memref<1x88xi32, #tpu.memory_space<vmem>>
    %dma_start3A_48 = tpu.memref_squeeze %dma_start3A_47 : memref<1x88xi32, #tpu.memory_space<vmem>> -> memref<88xi32, #tpu.memory_space<vmem>>
    %dma_start3A_49 = arith.constant 0 : i32
    %dma_start3A_50 = arith.constant 0 : i32
    %dma_start3A_51 = tpu.memref_slice %arg2[%dma_start3A_49, %dma_start3A_50] : memref<10000x128xf32, #tpu.memory_space<hbm>> -> memref<10000x128xf32, #tpu.memory_space<hbm>>
    tpu.enqueue_indirect_dma source(%dma_start3A_51 : memref<10000x128xf32, #tpu.memory_space<hbm>>) target(%arg6 : memref<88x128xf32, #tpu.memory_space<vmem>>) offsets(%dma_start3A_48 : memref<88xi32, #tpu.memory_space<vmem>>) semaphore(%arg12 : memref<!tpu.dma_semaphore, #tpu.memory_space<semaphore_mem>>)
    %dma_start3A_52 = arith.constant 1 : i32
    %dma_start3A_53 = arith.constant 0 : i32
    %dma_start3A_54 = tpu.memref_slice %arg9[%dma_start3A_52, %dma_start3A_53] : memref<57x88xi32, #tpu.memory_space<vmem>> -> memref<1x88xi32, #tpu.memory_space<vmem>>
    %dma_start3A_55 = tpu.memref_squeeze %dma_start3A_54 : memref<1x88xi32, #tpu.memory_space<vmem>> -> memref<88xi32, #tpu.memory_space<vmem>>
    %dma_start3A_56 = arith.constant 0 : i32
    %dma_start3A_57 = arith.constant 0 : i32
    %dma_start3A_58 = tpu.memref_slice %arg2[%dma_start3A_56, %dma_start3A_57] : memref<10000x128xf32, #tpu.memory_space<hbm>> -> memref<10000x128xf32, #tpu.memory_space<hbm>>
    tpu.enqueue_indirect_dma source(%dma_start3A_58 : memref<10000x128xf32, #tpu.memory_space<hbm>>) target(%arg7 : memref<88x128xf32, #tpu.memory_space<vmem>>) offsets(%dma_start3A_55 : memref<88xi32, #tpu.memory_space<vmem>>) semaphore(%arg13 : memref<!tpu.dma_semaphore, #tpu.memory_space<semaphore_mem>>)
    %scan3A_59 = arith.constant 0 : i32
    %scan3A_60 = arith.constant 0 : i32
    %scan3A_61 = arith.constant 19 : i32
    %scan3A_62 = arith.addi %scan3A_60, %scan3A_61 : i32
    %scan3A_63 = arith.constant 1 : i32
    scf.for %scan3A_125 = %scan3A_60 to %scan3A_62 step %scan3A_63  : i32 {
      %mul3A_126 = arith.constant 3 : i32
      %mul3A_127 = arith.muli %scan3A_125, %mul3A_126 : i32
      %dma_wait3A_128 = arith.constant 0 : i32
      %dma_wait3A_129 = arith.constant 0 : i32
      %dma_wait3A_130 = tpu.memref_slice %arg9[%dma_wait3A_128, %dma_wait3A_129] : memref<57x88xi32, #tpu.memory_space<vmem>> -> memref<1x88xi32, #tpu.memory_space<vmem>>
      %dma_wait3A_131 = tpu.memref_squeeze %dma_wait3A_130 : memref<1x88xi32, #tpu.memory_space<vmem>> -> memref<88xi32, #tpu.memory_space<vmem>>
      %dma_wait3A_132 = arith.constant 0 : i32
      %dma_wait3A_133 = arith.constant 0 : i32
      %dma_wait3A_134 = tpu.memref_slice %arg2[%dma_wait3A_132, %dma_wait3A_133] : memref<10000x128xf32, #tpu.memory_space<hbm>> -> memref<10000x128xf32, #tpu.memory_space<hbm>>
      tpu.wait_indirect_dma semaphore(%arg12 : memref<!tpu.dma_semaphore, #tpu.memory_space<semaphore_mem>>) src(%dma_wait3A_134 : memref<10000x128xf32, #tpu.memory_space<hbm>>) dst(%arg6 : memref<88x128xf32, #tpu.memory_space<vmem>>)
      %add3A_135 = arith.constant 0 : i32
      %add3A_136 = arith.addi %mul3A_127, %add3A_135 : i32
      %add3A_137 = arith.constant 2 : i32
      %add3A_138 = arith.addi %add3A_136, %add3A_137 : i32
      %min3A = arith.constant 56 : i32
      %min3A_139 = arith.minsi %add3A_138, %min3A : i32
      %dma_start3A_140 = arith.constant 0 : i32
      %dma_start3A_141 = tpu.memref_slice %arg9[%min3A_139, %dma_start3A_140] : memref<57x88xi32, #tpu.memory_space<vmem>> -> memref<1x88xi32, #tpu.memory_space<vmem>>
      %dma_start3A_142 = tpu.memref_squeeze %dma_start3A_141 : memref<1x88xi32, #tpu.memory_space<vmem>> -> memref<88xi32, #tpu.memory_space<vmem>>
      %dma_start3A_143 = arith.constant 0 : i32
      %dma_start3A_144 = arith.constant 0 : i32
      %dma_start3A_145 = tpu.memref_slice %arg2[%dma_start3A_143, %dma_start3A_144] : memref<10000x128xf32, #tpu.memory_space<hbm>> -> memref<10000x128xf32, #tpu.memory_space<hbm>>
      tpu.enqueue_indirect_dma source(%dma_start3A_145 : memref<10000x128xf32, #tpu.memory_space<hbm>>) target(%arg8 : memref<88x128xf32, #tpu.memory_space<vmem>>) offsets(%dma_start3A_142 : memref<88xi32, #tpu.memory_space<vmem>>) semaphore(%arg14 : memref<!tpu.dma_semaphore, #tpu.memory_space<semaphore_mem>>)
      %add3A_146 = arith.constant 0 : i32
      %add3A_147 = arith.addi %mul3A_127, %add3A_146 : i32
      "tpu.region"() ({
        %run_scoped3A = tpu.sem_alloc : memref<!tpu.dma_semaphore, #tpu.memory_space<semaphore_mem>>
        %dma_start3A_190 = arith.constant 0 : i32
        %dma_start3A_191 = tpu.memref_slice %arg10[%add3A_147, %dma_start3A_190] : memref<57x88xi32, #tpu.memory_space<vmem>> -> memref<1x88xi32, #tpu.memory_space<vmem>>
        %dma_start3A_192 = tpu.memref_squeeze %dma_start3A_191 : memref<1x88xi32, #tpu.memory_space<vmem>> -> memref<88xi32, #tpu.memory_space<vmem>>
        %dma_start3A_193 = arith.constant 0 : i32
        %dma_start3A_194 = arith.constant 0 : i32
        %dma_start3A_195 = tpu.memref_slice %arg11[%dma_start3A_193, %dma_start3A_194] : memref<10112x128xf32, #tpu.memory_space<vmem_shared>> -> memref<10112x128xf32, #tpu.memory_space<vmem_shared>>
        tpu.enqueue_indirect_dma source(%arg6 : memref<88x128xf32, #tpu.memory_space<vmem>>) target(%dma_start3A_195 : memref<10112x128xf32, #tpu.memory_space<vmem_shared>>) offsets(%dma_start3A_192 : memref<88xi32, #tpu.memory_space<vmem>>) semaphore(%run_scoped3A : memref<!tpu.dma_semaphore, #tpu.memory_space<semaphore_mem>>) {add = true}
        %dma_wait3A_196 = arith.constant 0 : i32
        %dma_wait3A_197 = tpu.memref_slice %arg10[%add3A_147, %dma_wait3A_196] : memref<57x88xi32, #tpu.memory_space<vmem>> -> memref<1x88xi32, #tpu.memory_space<vmem>>
        %dma_wait3A_198 = tpu.memref_squeeze %dma_wait3A_197 : memref<1x88xi32, #tpu.memory_space<vmem>> -> memref<88xi32, #tpu.memory_space<vmem>>
        %dma_wait3A_199 = arith.constant 0 : i32
        %dma_wait3A_200 = arith.constant 0 : i32
        %dma_wait3A_201 = tpu.memref_slice %arg11[%dma_wait3A_199, %dma_wait3A_200] : memref<10112x128xf32, #tpu.memory_space<vmem_shared>> -> memref<10112x128xf32, #tpu.memory_space<vmem_shared>>
        tpu.wait_indirect_dma semaphore(%run_scoped3A : memref<!tpu.dma_semaphore, #tpu.memory_space<semaphore_mem>>) src(%arg6 : memref<88x128xf32, #tpu.memory_space<vmem>>) dst(%dma_wait3A_201 : memref<10112x128xf32, #tpu.memory_space<vmem_shared>>)
        tpu.yield
      }) : () -> ()
      %dma_wait3A_148 = arith.constant 0 : i32
      %dma_wait3A_149 = arith.constant 0 : i32
      %dma_wait3A_150 = tpu.memref_slice %arg9[%dma_wait3A_148, %dma_wait3A_149] : memref<57x88xi32, #tpu.memory_space<vmem>> -> memref<1x88xi32, #tpu.memory_space<vmem>>
      %dma_wait3A_151 = tpu.memref_squeeze %dma_wait3A_150 : memref<1x88xi32, #tpu.memory_space<vmem>> -> memref<88xi32, #tpu.memory_space<vmem>>
      %dma_wait3A_152 = arith.constant 0 : i32
      %dma_wait3A_153 = arith.constant 0 : i32
      %dma_wait3A_154 = tpu.memref_slice %arg2[%dma_wait3A_152, %dma_wait3A_153] : memref<10000x128xf32, #tpu.memory_space<hbm>> -> memref<10000x128xf32, #tpu.memory_space<hbm>>
      tpu.wait_indirect_dma semaphore(%arg13 : memref<!tpu.dma_semaphore, #tpu.memory_space<semaphore_mem>>) src(%dma_wait3A_154 : memref<10000x128xf32, #tpu.memory_space<hbm>>) dst(%arg7 : memref<88x128xf32, #tpu.memory_space<vmem>>)
      %add3A_155 = arith.constant 1 : i32
      %add3A_156 = arith.addi %mul3A_127, %add3A_155 : i32
      %add3A_157 = arith.constant 2 : i32
      %add3A_158 = arith.addi %add3A_156, %add3A_157 : i32
      %min3A_159 = arith.constant 56 : i32
      %min3A_160 = arith.minsi %add3A_158, %min3A_159 : i32
      %dma_start3A_161 = arith.constant 0 : i32
      %dma_start3A_162 = tpu.memref_slice %arg9[%min3A_160, %dma_start3A_161] : memref<57x88xi32, #tpu.memory_space<vmem>> -> memref<1x88xi32, #tpu.memory_space<vmem>>
      %dma_start3A_163 = tpu.memref_squeeze %dma_start3A_162 : memref<1x88xi32, #tpu.memory_space<vmem>> -> memref<88xi32, #tpu.memory_space<vmem>>
      %dma_start3A_164 = arith.constant 0 : i32
      %dma_start3A_165 = arith.constant 0 : i32
      %dma_start3A_166 = tpu.memref_slice %arg2[%dma_start3A_164, %dma_start3A_165] : memref<10000x128xf32, #tpu.memory_space<hbm>> -> memref<10000x128xf32, #tpu.memory_space<hbm>>
      tpu.enqueue_indirect_dma source(%dma_start3A_166 : memref<10000x128xf32, #tpu.memory_space<hbm>>) target(%arg6 : memref<88x128xf32, #tpu.memory_space<vmem>>) offsets(%dma_start3A_163 : memref<88xi32, #tpu.memory_space<vmem>>) semaphore(%arg12 : memref<!tpu.dma_semaphore, #tpu.memory_space<semaphore_mem>>)
      %add3A_167 = arith.constant 1 : i32
      %add3A_168 = arith.addi %mul3A_127, %add3A_167 : i32
      "tpu.region"() ({
        %run_scoped3A = tpu.sem_alloc : memref<!tpu.dma_semaphore, #tpu.memory_space<semaphore_mem>>
        %dma_start3A_190 = arith.constant 0 : i32
        %dma_start3A_191 = tpu.memref_slice %arg10[%add3A_168, %dma_start3A_190] : memref<57x88xi32, #tpu.memory_space<vmem>> -> memref<1x88xi32, #tpu.memory_space<vmem>>
        %dma_start3A_192 = tpu.memref_squeeze %dma_start3A_191 : memref<1x88xi32, #tpu.memory_space<vmem>> -> memref<88xi32, #tpu.memory_space<vmem>>
        %dma_start3A_193 = arith.constant 0 : i32
        %dma_start3A_194 = arith.constant 0 : i32
        %dma_start3A_195 = tpu.memref_slice %arg11[%dma_start3A_193, %dma_start3A_194] : memref<10112x128xf32, #tpu.memory_space<vmem_shared>> -> memref<10112x128xf32, #tpu.memory_space<vmem_shared>>
        tpu.enqueue_indirect_dma source(%arg7 : memref<88x128xf32, #tpu.memory_space<vmem>>) target(%dma_start3A_195 : memref<10112x128xf32, #tpu.memory_space<vmem_shared>>) offsets(%dma_start3A_192 : memref<88xi32, #tpu.memory_space<vmem>>) semaphore(%run_scoped3A : memref<!tpu.dma_semaphore, #tpu.memory_space<semaphore_mem>>) {add = true}
        %dma_wait3A_196 = arith.constant 0 : i32
        %dma_wait3A_197 = tpu.memref_slice %arg10[%add3A_168, %dma_wait3A_196] : memref<57x88xi32, #tpu.memory_space<vmem>> -> memref<1x88xi32, #tpu.memory_space<vmem>>
        %dma_wait3A_198 = tpu.memref_squeeze %dma_wait3A_197 : memref<1x88xi32, #tpu.memory_space<vmem>> -> memref<88xi32, #tpu.memory_space<vmem>>
        %dma_wait3A_199 = arith.constant 0 : i32
        %dma_wait3A_200 = arith.constant 0 : i32
        %dma_wait3A_201 = tpu.memref_slice %arg11[%dma_wait3A_199, %dma_wait3A_200] : memref<10112x128xf32, #tpu.memory_space<vmem_shared>> -> memref<10112x128xf32, #tpu.memory_space<vmem_shared>>
        tpu.wait_indirect_dma semaphore(%run_scoped3A : memref<!tpu.dma_semaphore, #tpu.memory_space<semaphore_mem>>) src(%arg7 : memref<88x128xf32, #tpu.memory_space<vmem>>) dst(%dma_wait3A_201 : memref<10112x128xf32, #tpu.memory_space<vmem_shared>>)
        tpu.yield
      }) : () -> ()
      %dma_wait3A_169 = arith.constant 0 : i32
      %dma_wait3A_170 = arith.constant 0 : i32
      %dma_wait3A_171 = tpu.memref_slice %arg9[%dma_wait3A_169, %dma_wait3A_170] : memref<57x88xi32, #tpu.memory_space<vmem>> -> memref<1x88xi32, #tpu.memory_space<vmem>>
      %dma_wait3A_172 = tpu.memref_squeeze %dma_wait3A_171 : memref<1x88xi32, #tpu.memory_space<vmem>> -> memref<88xi32, #tpu.memory_space<vmem>>
      %dma_wait3A_173 = arith.constant 0 : i32
      %dma_wait3A_174 = arith.constant 0 : i32
      %dma_wait3A_175 = tpu.memref_slice %arg2[%dma_wait3A_173, %dma_wait3A_174] : memref<10000x128xf32, #tpu.memory_space<hbm>> -> memref<10000x128xf32, #tpu.memory_space<hbm>>
      tpu.wait_indirect_dma semaphore(%arg14 : memref<!tpu.dma_semaphore, #tpu.memory_space<semaphore_mem>>) src(%dma_wait3A_175 : memref<10000x128xf32, #tpu.memory_space<hbm>>) dst(%arg8 : memref<88x128xf32, #tpu.memory_space<vmem>>)
      %add3A_176 = arith.constant 2 : i32
      %add3A_177 = arith.addi %mul3A_127, %add3A_176 : i32
      %add3A_178 = arith.constant 2 : i32
      %add3A_179 = arith.addi %add3A_177, %add3A_178 : i32
      %min3A_180 = arith.constant 56 : i32
      %min3A_181 = arith.minsi %add3A_179, %min3A_180 : i32
      %dma_start3A_182 = arith.constant 0 : i32
      %dma_start3A_183 = tpu.memref_slice %arg9[%min3A_181, %dma_start3A_182] : memref<57x88xi32, #tpu.memory_space<vmem>> -> memref<1x88xi32, #tpu.memory_space<vmem>>
      %dma_start3A_184 = tpu.memref_squeeze %dma_start3A_183 : memref<1x88xi32, #tpu.memory_space<vmem>> -> memref<88xi32, #tpu.memory_space<vmem>>
      %dma_start3A_185 = arith.constant 0 : i32
      %dma_start3A_186 = arith.constant 0 : i32
      %dma_start3A_187 = tpu.memref_slice %arg2[%dma_start3A_185, %dma_start3A_186] : memref<10000x128xf32, #tpu.memory_space<hbm>> -> memref<10000x128xf32, #tpu.memory_space<hbm>>
      tpu.enqueue_indirect_dma source(%dma_start3A_187 : memref<10000x128xf32, #tpu.memory_space<hbm>>) target(%arg7 : memref<88x128xf32, #tpu.memory_space<vmem>>) offsets(%dma_start3A_184 : memref<88xi32, #tpu.memory_space<vmem>>) semaphore(%arg13 : memref<!tpu.dma_semaphore, #tpu.memory_space<semaphore_mem>>)
      %add3A_188 = arith.constant 2 : i32
      %add3A_189 = arith.addi %mul3A_127, %add3A_188 : i32
      "tpu.region"() ({
        %run_scoped3A = tpu.sem_alloc : memref<!tpu.dma_semaphore, #tpu.memory_space<semaphore_mem>>
        %dma_start3A_190 = arith.constant 0 : i32
        %dma_start3A_191 = tpu.memref_slice %arg10[%add3A_189, %dma_start3A_190] : memref<57x88xi32, #tpu.memory_space<vmem>> -> memref<1x88xi32, #tpu.memory_space<vmem>>
        %dma_start3A_192 = tpu.memref_squeeze %dma_start3A_191 : memref<1x88xi32, #tpu.memory_space<vmem>> -> memref<88xi32, #tpu.memory_space<vmem>>
        %dma_start3A_193 = arith.constant 0 : i32
        %dma_start3A_194 = arith.constant 0 : i32
        %dma_start3A_195 = tpu.memref_slice %arg11[%dma_start3A_193, %dma_start3A_194] : memref<10112x128xf32, #tpu.memory_space<vmem_shared>> -> memref<10112x128xf32, #tpu.memory_space<vmem_shared>>
        tpu.enqueue_indirect_dma source(%arg8 : memref<88x128xf32, #tpu.memory_space<vmem>>) target(%dma_start3A_195 : memref<10112x128xf32, #tpu.memory_space<vmem_shared>>) offsets(%dma_start3A_192 : memref<88xi32, #tpu.memory_space<vmem>>) semaphore(%run_scoped3A : memref<!tpu.dma_semaphore, #tpu.memory_space<semaphore_mem>>) {add = true}
        %dma_wait3A_196 = arith.constant 0 : i32
        %dma_wait3A_197 = tpu.memref_slice %arg10[%add3A_189, %dma_wait3A_196] : memref<57x88xi32, #tpu.memory_space<vmem>> -> memref<1x88xi32, #tpu.memory_space<vmem>>
        %dma_wait3A_198 = tpu.memref_squeeze %dma_wait3A_197 : memref<1x88xi32, #tpu.memory_space<vmem>> -> memref<88xi32, #tpu.memory_space<vmem>>
        %dma_wait3A_199 = arith.constant 0 : i32
        %dma_wait3A_200 = arith.constant 0 : i32
        %dma_wait3A_201 = tpu.memref_slice %arg11[%dma_wait3A_199, %dma_wait3A_200] : memref<10112x128xf32, #tpu.memory_space<vmem_shared>> -> memref<10112x128xf32, #tpu.memory_space<vmem_shared>>
        tpu.wait_indirect_dma semaphore(%run_scoped3A : memref<!tpu.dma_semaphore, #tpu.memory_space<semaphore_mem>>) src(%arg8 : memref<88x128xf32, #tpu.memory_space<vmem>>) dst(%dma_wait3A_201 : memref<10112x128xf32, #tpu.memory_space<vmem_shared>>)
        tpu.yield
      }) : () -> ()
    }
    %scan3A_64 = arith.constant 19 : i32
    %dma_wait3A = arith.constant 0 : i32
    %dma_wait3A_65 = arith.constant 0 : i32
    %dma_wait3A_66 = tpu.memref_slice %arg9[%dma_wait3A, %dma_wait3A_65] : memref<57x88xi32, #tpu.memory_space<vmem>> -> memref<1x88xi32, #tpu.memory_space<vmem>>
    %dma_wait3A_67 = tpu.memref_squeeze %dma_wait3A_66 : memref<1x88xi32, #tpu.memory_space<vmem>> -> memref<88xi32, #tpu.memory_space<vmem>>
    %dma_wait3A_68 = arith.constant 0 : i32
    %dma_wait3A_69 = arith.constant 0 : i32
    %dma_wait3A_70 = tpu.memref_slice %arg2[%dma_wait3A_68, %dma_wait3A_69] : memref<10000x128xf32, #tpu.memory_space<hbm>> -> memref<10000x128xf32, #tpu.memory_space<hbm>>
    tpu.wait_indirect_dma semaphore(%arg12 : memref<!tpu.dma_semaphore, #tpu.memory_space<semaphore_mem>>) src(%dma_wait3A_70 : memref<10000x128xf32, #tpu.memory_space<hbm>>) dst(%arg6 : memref<88x128xf32, #tpu.memory_space<vmem>>)
    %dma_wait3A_71 = arith.constant 0 : i32
    %dma_wait3A_72 = arith.constant 0 : i32
    %dma_wait3A_73 = tpu.memref_slice %arg9[%dma_wait3A_71, %dma_wait3A_72] : memref<57x88xi32, #tpu.memory_space<vmem>> -> memref<1x88xi32, #tpu.memory_space<vmem>>
    %dma_wait3A_74 = tpu.memref_squeeze %dma_wait3A_73 : memref<1x88xi32, #tpu.memory_space<vmem>> -> memref<88xi32, #tpu.memory_space<vmem>>
    %dma_wait3A_75 = arith.constant 0 : i32
    %dma_wait3A_76 = arith.constant 0 : i32
    %dma_wait3A_77 = tpu.memref_slice %arg2[%dma_wait3A_75, %dma_wait3A_76] : memref<10000x128xf32, #tpu.memory_space<hbm>> -> memref<10000x128xf32, #tpu.memory_space<hbm>>
    tpu.wait_indirect_dma semaphore(%arg13 : memref<!tpu.dma_semaphore, #tpu.memory_space<semaphore_mem>>) src(%dma_wait3A_77 : memref<10000x128xf32, #tpu.memory_space<hbm>>) dst(%arg7 : memref<88x128xf32, #tpu.memory_space<vmem>>)
    %mul3A_78 = arith.constant 2 : i32
    %mul3A_79 = arith.muli %add3A, %mul3A_78 : i32
    %add3A_80 = arith.constant 1 : i32
    %add3A_81 = arith.addi %mul3A_79, %add3A_80 : i32
    "tpu.region"() ({
      %run_scoped3A = tpu.sem_alloc : memref<!tpu.dma_semaphore, #tpu.memory_space<semaphore_mem>>
      %dma_start3A_125 = arith.constant 0 : i32
      %dma_start3A_126 = arith.constant 0 : i32
      %dma_start3A_127 = tpu.memref_slice %arg3[%add3A_81, %dma_start3A_125, %dma_start3A_126] : memref<64x57x88xi32, #tpu.memory_space<hbm>> -> memref<1x57x88xi32, #tpu.memory_space<hbm>>
      %dma_start3A_128 = tpu.memref_squeeze %dma_start3A_127 : memref<1x57x88xi32, #tpu.memory_space<hbm>> -> memref<57x88xi32, #tpu.memory_space<hbm>>
      %dma_start3A_129 = arith.constant 0 : i32
      %dma_start3A_130 = arith.constant 0 : i32
      %dma_start3A_131 = tpu.memref_slice %arg3[%add3A_81, %dma_start3A_129, %dma_start3A_130] : memref<64x57x88xi32, #tpu.memory_space<hbm>> -> memref<1x57x88xi32, #tpu.memory_space<hbm>>
      %dma_start3A_132 = tpu.memref_squeeze %dma_start3A_131 : memref<1x57x88xi32, #tpu.memory_space<hbm>> -> memref<57x88xi32, #tpu.memory_space<hbm>>
      tpu.enqueue_dma source(%dma_start3A_132 : memref<57x88xi32, #tpu.memory_space<hbm>>) target(%arg9 : memref<57x88xi32, #tpu.memory_space<vmem>>) target_semaphore(%run_scoped3A : memref<!tpu.dma_semaphore, #tpu.memory_space<semaphore_mem>>)
      %dma_wait3A_133 = arith.constant 0 : i32
      %dma_wait3A_134 = arith.constant 0 : i32
      %dma_wait3A_135 = tpu.memref_slice %arg3[%add3A_81, %dma_wait3A_133, %dma_wait3A_134] : memref<64x57x88xi32, #tpu.memory_space<hbm>> -> memref<1x57x88xi32, #tpu.memory_space<hbm>>
      %dma_wait3A_136 = tpu.memref_squeeze %dma_wait3A_135 : memref<1x57x88xi32, #tpu.memory_space<hbm>> -> memref<57x88xi32, #tpu.memory_space<hbm>>
      %dma_wait3A_137 = arith.constant 0 : i32
      %dma_wait3A_138 = arith.constant 0 : i32
      %dma_wait3A_139 = tpu.memref_slice %arg3[%add3A_81, %dma_wait3A_137, %dma_wait3A_138] : memref<64x57x88xi32, #tpu.memory_space<hbm>> -> memref<1x57x88xi32, #tpu.memory_space<hbm>>
      %dma_wait3A_140 = tpu.memref_squeeze %dma_wait3A_139 : memref<1x57x88xi32, #tpu.memory_space<hbm>> -> memref<57x88xi32, #tpu.memory_space<hbm>>
      tpu.wait_dma2 semaphore(%run_scoped3A : memref<!tpu.dma_semaphore, #tpu.memory_space<semaphore_mem>>) src(%dma_wait3A_140 : memref<57x88xi32, #tpu.memory_space<hbm>>) dst(%arg9 : memref<57x88xi32, #tpu.memory_space<vmem>>)
      tpu.yield
    }) : () -> ()
    %mul3A_82 = arith.constant 2 : i32
    %mul3A_83 = arith.muli %add3A, %mul3A_82 : i32
    %add3A_84 = arith.constant 1 : i32
    %add3A_85 = arith.addi %mul3A_83, %add3A_84 : i32
    "tpu.region"() ({
      %run_scoped3A = tpu.sem_alloc : memref<!tpu.dma_semaphore, #tpu.memory_space<semaphore_mem>>
      %dma_start3A_125 = arith.constant 0 : i32
      %dma_start3A_126 = arith.constant 0 : i32
      %dma_start3A_127 = tpu.memref_slice %arg4[%add3A_85, %dma_start3A_125, %dma_start3A_126] : memref<64x57x88xi32, #tpu.memory_space<hbm>> -> memref<1x57x88xi32, #tpu.memory_space<hbm>>
      %dma_start3A_128 = tpu.memref_squeeze %dma_start3A_127 : memref<1x57x88xi32, #tpu.memory_space<hbm>> -> memref<57x88xi32, #tpu.memory_space<hbm>>
      %dma_start3A_129 = arith.constant 0 : i32
      %dma_start3A_130 = arith.constant 0 : i32
      %dma_start3A_131 = tpu.memref_slice %arg4[%add3A_85, %dma_start3A_129, %dma_start3A_130] : memref<64x57x88xi32, #tpu.memory_space<hbm>> -> memref<1x57x88xi32, #tpu.memory_space<hbm>>
      %dma_start3A_132 = tpu.memref_squeeze %dma_start3A_131 : memref<1x57x88xi32, #tpu.memory_space<hbm>> -> memref<57x88xi32, #tpu.memory_space<hbm>>
      tpu.enqueue_dma source(%dma_start3A_132 : memref<57x88xi32, #tpu.memory_space<hbm>>) target(%arg10 : memref<57x88xi32, #tpu.memory_space<vmem>>) target_semaphore(%run_scoped3A : memref<!tpu.dma_semaphore, #tpu.memory_space<semaphore_mem>>)
      %dma_wait3A_133 = arith.constant 0 : i32
      %dma_wait3A_134 = arith.constant 0 : i32
      %dma_wait3A_135 = tpu.memref_slice %arg4[%add3A_85, %dma_wait3A_133, %dma_wait3A_134] : memref<64x57x88xi32, #tpu.memory_space<hbm>> -> memref<1x57x88xi32, #tpu.memory_space<hbm>>
      %dma_wait3A_136 = tpu.memref_squeeze %dma_wait3A_135 : memref<1x57x88xi32, #tpu.memory_space<hbm>> -> memref<57x88xi32, #tpu.memory_space<hbm>>
      %dma_wait3A_137 = arith.constant 0 : i32
      %dma_wait3A_138 = arith.constant 0 : i32
      %dma_wait3A_139 = tpu.memref_slice %arg4[%add3A_85, %dma_wait3A_137, %dma_wait3A_138] : memref<64x57x88xi32, #tpu.memory_space<hbm>> -> memref<1x57x88xi32, #tpu.memory_space<hbm>>
      %dma_wait3A_140 = tpu.memref_squeeze %dma_wait3A_139 : memref<1x57x88xi32, #tpu.memory_space<hbm>> -> memref<57x88xi32, #tpu.memory_space<hbm>>
      tpu.wait_dma2 semaphore(%run_scoped3A : memref<!tpu.dma_semaphore, #tpu.memory_space<semaphore_mem>>) src(%dma_wait3A_140 : memref<57x88xi32, #tpu.memory_space<hbm>>) dst(%arg10 : memref<57x88xi32, #tpu.memory_space<vmem>>)
      tpu.yield
    }) : () -> ()
    %dma_start3A_86 = arith.constant 0 : i32
    %dma_start3A_87 = arith.constant 0 : i32
    %dma_start3A_88 = tpu.memref_slice %arg9[%dma_start3A_86, %dma_start3A_87] : memref<57x88xi32, #tpu.memory_space<vmem>> -> memref<1x88xi32, #tpu.memory_space<vmem>>
    %dma_start3A_89 = tpu.memref_squeeze %dma_start3A_88 : memref<1x88xi32, #tpu.memory_space<vmem>> -> memref<88xi32, #tpu.memory_space<vmem>>
    %dma_start3A_90 = arith.constant 0 : i32
    %dma_start3A_91 = arith.constant 0 : i32
    %dma_start3A_92 = tpu.memref_slice %arg2[%dma_start3A_90, %dma_start3A_91] : memref<10000x128xf32, #tpu.memory_space<hbm>> -> memref<10000x128xf32, #tpu.memory_space<hbm>>
    tpu.enqueue_indirect_dma source(%dma_start3A_92 : memref<10000x128xf32, #tpu.memory_space<hbm>>) target(%arg6 : memref<88x128xf32, #tpu.memory_space<vmem>>) offsets(%dma_start3A_89 : memref<88xi32, #tpu.memory_space<vmem>>) semaphore(%arg12 : memref<!tpu.dma_semaphore, #tpu.memory_space<semaphore_mem>>)
    %dma_start3A_93 = arith.constant 1 : i32
    %dma_start3A_94 = arith.constant 0 : i32
    %dma_start3A_95 = tpu.memref_slice %arg9[%dma_start3A_93, %dma_start3A_94] : memref<57x88xi32, #tpu.memory_space<vmem>> -> memref<1x88xi32, #tpu.memory_space<vmem>>
    %dma_start3A_96 = tpu.memref_squeeze %dma_start3A_95 : memref<1x88xi32, #tpu.memory_space<vmem>> -> memref<88xi32, #tpu.memory_space<vmem>>
    %dma_start3A_97 = arith.constant 0 : i32
    %dma_start3A_98 = arith.constant 0 : i32
    %dma_start3A_99 = tpu.memref_slice %arg2[%dma_start3A_97, %dma_start3A_98] : memref<10000x128xf32, #tpu.memory_space<hbm>> -> memref<10000x128xf32, #tpu.memory_space<hbm>>
    tpu.enqueue_indirect_dma source(%dma_start3A_99 : memref<10000x128xf32, #tpu.memory_space<hbm>>) target(%arg7 : memref<88x128xf32, #tpu.memory_space<vmem>>) offsets(%dma_start3A_96 : memref<88xi32, #tpu.memory_space<vmem>>) semaphore(%arg13 : memref<!tpu.dma_semaphore, #tpu.memory_space<semaphore_mem>>)
    %scan3A_100 = arith.constant 0 : i32
    %scan3A_101 = arith.constant 0 : i32
    %scan3A_102 = arith.constant 19 : i32
    %scan3A_103 = arith.addi %scan3A_101, %scan3A_102 : i32
    %scan3A_104 = arith.constant 1 : i32
    scf.for %scan3A_125 = %scan3A_101 to %scan3A_103 step %scan3A_104  : i32 {
      %mul3A_126 = arith.constant 3 : i32
      %mul3A_127 = arith.muli %scan3A_125, %mul3A_126 : i32
      %dma_wait3A_128 = arith.constant 0 : i32
      %dma_wait3A_129 = arith.constant 0 : i32
      %dma_wait3A_130 = tpu.memref_slice %arg9[%dma_wait3A_128, %dma_wait3A_129] : memref<57x88xi32, #tpu.memory_space<vmem>> -> memref<1x88xi32, #tpu.memory_space<vmem>>
      %dma_wait3A_131 = tpu.memref_squeeze %dma_wait3A_130 : memref<1x88xi32, #tpu.memory_space<vmem>> -> memref<88xi32, #tpu.memory_space<vmem>>
      %dma_wait3A_132 = arith.constant 0 : i32
      %dma_wait3A_133 = arith.constant 0 : i32
      %dma_wait3A_134 = tpu.memref_slice %arg2[%dma_wait3A_132, %dma_wait3A_133] : memref<10000x128xf32, #tpu.memory_space<hbm>> -> memref<10000x128xf32, #tpu.memory_space<hbm>>
      tpu.wait_indirect_dma semaphore(%arg12 : memref<!tpu.dma_semaphore, #tpu.memory_space<semaphore_mem>>) src(%dma_wait3A_134 : memref<10000x128xf32, #tpu.memory_space<hbm>>) dst(%arg6 : memref<88x128xf32, #tpu.memory_space<vmem>>)
      %add3A_135 = arith.constant 0 : i32
      %add3A_136 = arith.addi %mul3A_127, %add3A_135 : i32
      %add3A_137 = arith.constant 2 : i32
      %add3A_138 = arith.addi %add3A_136, %add3A_137 : i32
      %min3A = arith.constant 56 : i32
      %min3A_139 = arith.minsi %add3A_138, %min3A : i32
      %dma_start3A_140 = arith.constant 0 : i32
      %dma_start3A_141 = tpu.memref_slice %arg9[%min3A_139, %dma_start3A_140] : memref<57x88xi32, #tpu.memory_space<vmem>> -> memref<1x88xi32, #tpu.memory_space<vmem>>
      %dma_start3A_142 = tpu.memref_squeeze %dma_start3A_141 : memref<1x88xi32, #tpu.memory_space<vmem>> -> memref<88xi32, #tpu.memory_space<vmem>>
      %dma_start3A_143 = arith.constant 0 : i32
      %dma_start3A_144 = arith.constant 0 : i32
      %dma_start3A_145 = tpu.memref_slice %arg2[%dma_start3A_143, %dma_start3A_144] : memref<10000x128xf32, #tpu.memory_space<hbm>> -> memref<10000x128xf32, #tpu.memory_space<hbm>>
      tpu.enqueue_indirect_dma source(%dma_start3A_145 : memref<10000x128xf32, #tpu.memory_space<hbm>>) target(%arg8 : memref<88x128xf32, #tpu.memory_space<vmem>>) offsets(%dma_start3A_142 : memref<88xi32, #tpu.memory_space<vmem>>) semaphore(%arg14 : memref<!tpu.dma_semaphore, #tpu.memory_space<semaphore_mem>>)
      %add3A_146 = arith.constant 0 : i32
      %add3A_147 = arith.addi %mul3A_127, %add3A_146 : i32
      "tpu.region"() ({
        %run_scoped3A = tpu.sem_alloc : memref<!tpu.dma_semaphore, #tpu.memory_space<semaphore_mem>>
        %dma_start3A_190 = arith.constant 0 : i32
        %dma_start3A_191 = tpu.memref_slice %arg10[%add3A_147, %dma_start3A_190] : memref<57x88xi32, #tpu.memory_space<vmem>> -> memref<1x88xi32, #tpu.memory_space<vmem>>
        %dma_start3A_192 = tpu.memref_squeeze %dma_start3A_191 : memref<1x88xi32, #tpu.memory_space<vmem>> -> memref<88xi32, #tpu.memory_space<vmem>>
        %dma_start3A_193 = arith.constant 0 : i32
        %dma_start3A_194 = arith.constant 0 : i32
        %dma_start3A_195 = tpu.memref_slice %arg11[%dma_start3A_193, %dma_start3A_194] : memref<10112x128xf32, #tpu.memory_space<vmem_shared>> -> memref<10112x128xf32, #tpu.memory_space<vmem_shared>>
        tpu.enqueue_indirect_dma source(%arg6 : memref<88x128xf32, #tpu.memory_space<vmem>>) target(%dma_start3A_195 : memref<10112x128xf32, #tpu.memory_space<vmem_shared>>) offsets(%dma_start3A_192 : memref<88xi32, #tpu.memory_space<vmem>>) semaphore(%run_scoped3A : memref<!tpu.dma_semaphore, #tpu.memory_space<semaphore_mem>>) {add = true}
        %dma_wait3A_196 = arith.constant 0 : i32
        %dma_wait3A_197 = tpu.memref_slice %arg10[%add3A_147, %dma_wait3A_196] : memref<57x88xi32, #tpu.memory_space<vmem>> -> memref<1x88xi32, #tpu.memory_space<vmem>>
        %dma_wait3A_198 = tpu.memref_squeeze %dma_wait3A_197 : memref<1x88xi32, #tpu.memory_space<vmem>> -> memref<88xi32, #tpu.memory_space<vmem>>
        %dma_wait3A_199 = arith.constant 0 : i32
        %dma_wait3A_200 = arith.constant 0 : i32
        %dma_wait3A_201 = tpu.memref_slice %arg11[%dma_wait3A_199, %dma_wait3A_200] : memref<10112x128xf32, #tpu.memory_space<vmem_shared>> -> memref<10112x128xf32, #tpu.memory_space<vmem_shared>>
        tpu.wait_indirect_dma semaphore(%run_scoped3A : memref<!tpu.dma_semaphore, #tpu.memory_space<semaphore_mem>>) src(%arg6 : memref<88x128xf32, #tpu.memory_space<vmem>>) dst(%dma_wait3A_201 : memref<10112x128xf32, #tpu.memory_space<vmem_shared>>)
        tpu.yield
      }) : () -> ()
      %dma_wait3A_148 = arith.constant 0 : i32
      %dma_wait3A_149 = arith.constant 0 : i32
      %dma_wait3A_150 = tpu.memref_slice %arg9[%dma_wait3A_148, %dma_wait3A_149] : memref<57x88xi32, #tpu.memory_space<vmem>> -> memref<1x88xi32, #tpu.memory_space<vmem>>
      %dma_wait3A_151 = tpu.memref_squeeze %dma_wait3A_150 : memref<1x88xi32, #tpu.memory_space<vmem>> -> memref<88xi32, #tpu.memory_space<vmem>>
      %dma_wait3A_152 = arith.constant 0 : i32
      %dma_wait3A_153 = arith.constant 0 : i32
      %dma_wait3A_154 = tpu.memref_slice %arg2[%dma_wait3A_152, %dma_wait3A_153] : memref<10000x128xf32, #tpu.memory_space<hbm>> -> memref<10000x128xf32, #tpu.memory_space<hbm>>
      tpu.wait_indirect_dma semaphore(%arg13 : memref<!tpu.dma_semaphore, #tpu.memory_space<semaphore_mem>>) src(%dma_wait3A_154 : memref<10000x128xf32, #tpu.memory_space<hbm>>) dst(%arg7 : memref<88x128xf32, #tpu.memory_space<vmem>>)
      %add3A_155 = arith.constant 1 : i32
      %add3A_156 = arith.addi %mul3A_127, %add3A_155 : i32
      %add3A_157 = arith.constant 2 : i32
      %add3A_158 = arith.addi %add3A_156, %add3A_157 : i32
      %min3A_159 = arith.constant 56 : i32
      %min3A_160 = arith.minsi %add3A_158, %min3A_159 : i32
      %dma_start3A_161 = arith.constant 0 : i32
      %dma_start3A_162 = tpu.memref_slice %arg9[%min3A_160, %dma_start3A_161] : memref<57x88xi32, #tpu.memory_space<vmem>> -> memref<1x88xi32, #tpu.memory_space<vmem>>
      %dma_start3A_163 = tpu.memref_squeeze %dma_start3A_162 : memref<1x88xi32, #tpu.memory_space<vmem>> -> memref<88xi32, #tpu.memory_space<vmem>>
      %dma_start3A_164 = arith.constant 0 : i32
      %dma_start3A_165 = arith.constant 0 : i32
      %dma_start3A_166 = tpu.memref_slice %arg2[%dma_start3A_164, %dma_start3A_165] : memref<10000x128xf32, #tpu.memory_space<hbm>> -> memref<10000x128xf32, #tpu.memory_space<hbm>>
      tpu.enqueue_indirect_dma source(%dma_start3A_166 : memref<10000x128xf32, #tpu.memory_space<hbm>>) target(%arg6 : memref<88x128xf32, #tpu.memory_space<vmem>>) offsets(%dma_start3A_163 : memref<88xi32, #tpu.memory_space<vmem>>) semaphore(%arg12 : memref<!tpu.dma_semaphore, #tpu.memory_space<semaphore_mem>>)
      %add3A_167 = arith.constant 1 : i32
      %add3A_168 = arith.addi %mul3A_127, %add3A_167 : i32
      "tpu.region"() ({
        %run_scoped3A = tpu.sem_alloc : memref<!tpu.dma_semaphore, #tpu.memory_space<semaphore_mem>>
        %dma_start3A_190 = arith.constant 0 : i32
        %dma_start3A_191 = tpu.memref_slice %arg10[%add3A_168, %dma_start3A_190] : memref<57x88xi32, #tpu.memory_space<vmem>> -> memref<1x88xi32, #tpu.memory_space<vmem>>
        %dma_start3A_192 = tpu.memref_squeeze %dma_start3A_191 : memref<1x88xi32, #tpu.memory_space<vmem>> -> memref<88xi32, #tpu.memory_space<vmem>>
        %dma_start3A_193 = arith.constant 0 : i32
        %dma_start3A_194 = arith.constant 0 : i32
        %dma_start3A_195 = tpu.memref_slice %arg11[%dma_start3A_193, %dma_start3A_194] : memref<10112x128xf32, #tpu.memory_space<vmem_shared>> -> memref<10112x128xf32, #tpu.memory_space<vmem_shared>>
        tpu.enqueue_indirect_dma source(%arg7 : memref<88x128xf32, #tpu.memory_space<vmem>>) target(%dma_start3A_195 : memref<10112x128xf32, #tpu.memory_space<vmem_shared>>) offsets(%dma_start3A_192 : memref<88xi32, #tpu.memory_space<vmem>>) semaphore(%run_scoped3A : memref<!tpu.dma_semaphore, #tpu.memory_space<semaphore_mem>>) {add = true}
        %dma_wait3A_196 = arith.constant 0 : i32
        %dma_wait3A_197 = tpu.memref_slice %arg10[%add3A_168, %dma_wait3A_196] : memref<57x88xi32, #tpu.memory_space<vmem>> -> memref<1x88xi32, #tpu.memory_space<vmem>>
        %dma_wait3A_198 = tpu.memref_squeeze %dma_wait3A_197 : memref<1x88xi32, #tpu.memory_space<vmem>> -> memref<88xi32, #tpu.memory_space<vmem>>
        %dma_wait3A_199 = arith.constant 0 : i32
        %dma_wait3A_200 = arith.constant 0 : i32
        %dma_wait3A_201 = tpu.memref_slice %arg11[%dma_wait3A_199, %dma_wait3A_200] : memref<10112x128xf32, #tpu.memory_space<vmem_shared>> -> memref<10112x128xf32, #tpu.memory_space<vmem_shared>>
        tpu.wait_indirect_dma semaphore(%run_scoped3A : memref<!tpu.dma_semaphore, #tpu.memory_space<semaphore_mem>>) src(%arg7 : memref<88x128xf32, #tpu.memory_space<vmem>>) dst(%dma_wait3A_201 : memref<10112x128xf32, #tpu.memory_space<vmem_shared>>)
        tpu.yield
      }) : () -> ()
      %dma_wait3A_169 = arith.constant 0 : i32
      %dma_wait3A_170 = arith.constant 0 : i32
      %dma_wait3A_171 = tpu.memref_slice %arg9[%dma_wait3A_169, %dma_wait3A_170] : memref<57x88xi32, #tpu.memory_space<vmem>> -> memref<1x88xi32, #tpu.memory_space<vmem>>
      %dma_wait3A_172 = tpu.memref_squeeze %dma_wait3A_171 : memref<1x88xi32, #tpu.memory_space<vmem>> -> memref<88xi32, #tpu.memory_space<vmem>>
      %dma_wait3A_173 = arith.constant 0 : i32
      %dma_wait3A_174 = arith.constant 0 : i32
      %dma_wait3A_175 = tpu.memref_slice %arg2[%dma_wait3A_173, %dma_wait3A_174] : memref<10000x128xf32, #tpu.memory_space<hbm>> -> memref<10000x128xf32, #tpu.memory_space<hbm>>
      tpu.wait_indirect_dma semaphore(%arg14 : memref<!tpu.dma_semaphore, #tpu.memory_space<semaphore_mem>>) src(%dma_wait3A_175 : memref<10000x128xf32, #tpu.memory_space<hbm>>) dst(%arg8 : memref<88x128xf32, #tpu.memory_space<vmem>>)
      %add3A_176 = arith.constant 2 : i32
      %add3A_177 = arith.addi %mul3A_127, %add3A_176 : i32
      %add3A_178 = arith.constant 2 : i32
      %add3A_179 = arith.addi %add3A_177, %add3A_178 : i32
      %min3A_180 = arith.constant 56 : i32
      %min3A_181 = arith.minsi %add3A_179, %min3A_180 : i32
      %dma_start3A_182 = arith.constant 0 : i32
      %dma_start3A_183 = tpu.memref_slice %arg9[%min3A_181, %dma_start3A_182] : memref<57x88xi32, #tpu.memory_space<vmem>> -> memref<1x88xi32, #tpu.memory_space<vmem>>
      %dma_start3A_184 = tpu.memref_squeeze %dma_start3A_183 : memref<1x88xi32, #tpu.memory_space<vmem>> -> memref<88xi32, #tpu.memory_space<vmem>>
      %dma_start3A_185 = arith.constant 0 : i32
      %dma_start3A_186 = arith.constant 0 : i32
      %dma_start3A_187 = tpu.memref_slice %arg2[%dma_start3A_185, %dma_start3A_186] : memref<10000x128xf32, #tpu.memory_space<hbm>> -> memref<10000x128xf32, #tpu.memory_space<hbm>>
      tpu.enqueue_indirect_dma source(%dma_start3A_187 : memref<10000x128xf32, #tpu.memory_space<hbm>>) target(%arg7 : memref<88x128xf32, #tpu.memory_space<vmem>>) offsets(%dma_start3A_184 : memref<88xi32, #tpu.memory_space<vmem>>) semaphore(%arg13 : memref<!tpu.dma_semaphore, #tpu.memory_space<semaphore_mem>>)
      %add3A_188 = arith.constant 2 : i32
      %add3A_189 = arith.addi %mul3A_127, %add3A_188 : i32
      "tpu.region"() ({
        %run_scoped3A = tpu.sem_alloc : memref<!tpu.dma_semaphore, #tpu.memory_space<semaphore_mem>>
        %dma_start3A_190 = arith.constant 0 : i32
        %dma_start3A_191 = tpu.memref_slice %arg10[%add3A_189, %dma_start3A_190] : memref<57x88xi32, #tpu.memory_space<vmem>> -> memref<1x88xi32, #tpu.memory_space<vmem>>
        %dma_start3A_192 = tpu.memref_squeeze %dma_start3A_191 : memref<1x88xi32, #tpu.memory_space<vmem>> -> memref<88xi32, #tpu.memory_space<vmem>>
        %dma_start3A_193 = arith.constant 0 : i32
        %dma_start3A_194 = arith.constant 0 : i32
        %dma_start3A_195 = tpu.memref_slice %arg11[%dma_start3A_193, %dma_start3A_194] : memref<10112x128xf32, #tpu.memory_space<vmem_shared>> -> memref<10112x128xf32, #tpu.memory_space<vmem_shared>>
        tpu.enqueue_indirect_dma source(%arg8 : memref<88x128xf32, #tpu.memory_space<vmem>>) target(%dma_start3A_195 : memref<10112x128xf32, #tpu.memory_space<vmem_shared>>) offsets(%dma_start3A_192 : memref<88xi32, #tpu.memory_space<vmem>>) semaphore(%run_scoped3A : memref<!tpu.dma_semaphore, #tpu.memory_space<semaphore_mem>>) {add = true}
        %dma_wait3A_196 = arith.constant 0 : i32
        %dma_wait3A_197 = tpu.memref_slice %arg10[%add3A_189, %dma_wait3A_196] : memref<57x88xi32, #tpu.memory_space<vmem>> -> memref<1x88xi32, #tpu.memory_space<vmem>>
        %dma_wait3A_198 = tpu.memref_squeeze %dma_wait3A_197 : memref<1x88xi32, #tpu.memory_space<vmem>> -> memref<88xi32, #tpu.memory_space<vmem>>
        %dma_wait3A_199 = arith.constant 0 : i32
        %dma_wait3A_200 = arith.constant 0 : i32
        %dma_wait3A_201 = tpu.memref_slice %arg11[%dma_wait3A_199, %dma_wait3A_200] : memref<10112x128xf32, #tpu.memory_space<vmem_shared>> -> memref<10112x128xf32, #tpu.memory_space<vmem_shared>>
        tpu.wait_indirect_dma semaphore(%run_scoped3A : memref<!tpu.dma_semaphore, #tpu.memory_space<semaphore_mem>>) src(%arg8 : memref<88x128xf32, #tpu.memory_space<vmem>>) dst(%dma_wait3A_201 : memref<10112x128xf32, #tpu.memory_space<vmem_shared>>)
        tpu.yield
      }) : () -> ()
    }
    %scan3A_105 = arith.constant 19 : i32
    %dma_wait3A_106 = arith.constant 0 : i32
    %dma_wait3A_107 = arith.constant 0 : i32
    %dma_wait3A_108 = tpu.memref_slice %arg9[%dma_wait3A_106, %dma_wait3A_107] : memref<57x88xi32, #tpu.memory_space<vmem>> -> memref<1x88xi32, #tpu.memory_space<vmem>>
    %dma_wait3A_109 = tpu.memref_squeeze %dma_wait3A_108 : memref<1x88xi32, #tpu.memory_space<vmem>> -> memref<88xi32, #tpu.memory_space<vmem>>
    %dma_wait3A_110 = arith.constant 0 : i32
    %dma_wait3A_111 = arith.constant 0 : i32
    %dma_wait3A_112 = tpu.memref_slice %arg2[%dma_wait3A_110, %dma_wait3A_111] : memref<10000x128xf32, #tpu.memory_space<hbm>> -> memref<10000x128xf32, #tpu.memory_space<hbm>>
    tpu.wait_indirect_dma semaphore(%arg12 : memref<!tpu.dma_semaphore, #tpu.memory_space<semaphore_mem>>) src(%dma_wait3A_112 : memref<10000x128xf32, #tpu.memory_space<hbm>>) dst(%arg6 : memref<88x128xf32, #tpu.memory_space<vmem>>)
    %dma_wait3A_113 = arith.constant 0 : i32
    %dma_wait3A_114 = arith.constant 0 : i32
    %dma_wait3A_115 = tpu.memref_slice %arg9[%dma_wait3A_113, %dma_wait3A_114] : memref<57x88xi32, #tpu.memory_space<vmem>> -> memref<1x88xi32, #tpu.memory_space<vmem>>
    %dma_wait3A_116 = tpu.memref_squeeze %dma_wait3A_115 : memref<1x88xi32, #tpu.memory_space<vmem>> -> memref<88xi32, #tpu.memory_space<vmem>>
    %dma_wait3A_117 = arith.constant 0 : i32
    %dma_wait3A_118 = arith.constant 0 : i32
    %dma_wait3A_119 = tpu.memref_slice %arg2[%dma_wait3A_117, %dma_wait3A_118] : memref<10000x128xf32, #tpu.memory_space<hbm>> -> memref<10000x128xf32, #tpu.memory_space<hbm>>
    tpu.wait_indirect_dma semaphore(%arg13 : memref<!tpu.dma_semaphore, #tpu.memory_space<semaphore_mem>>) src(%dma_wait3A_119 : memref<10000x128xf32, #tpu.memory_space<hbm>>) dst(%arg7 : memref<88x128xf32, #tpu.memory_space<vmem>>)
    %barrier3A_120 = arith.constant 0 : index
    tpu.barrier barrier_id(%barrier3A_120)
    %mul3A_121 = arith.constant 632 : i32
    %mul3A_122 = arith.muli %arg1, %mul3A_121 : i32
    %mul3A_123 = arith.constant 632 : i32
    %mul3A_124 = arith.muli %arg1, %mul3A_123 : i32
    "tpu.region"() ({
      %run_scoped3A = tpu.sem_alloc : memref<!tpu.dma_semaphore, #tpu.memory_space<semaphore_mem>>
      %dma_start3A_125 = arith.constant 0 : i32
      %dma_start3A_126 = tpu.memref_slice %arg5[%arg0, %mul3A_124, %dma_start3A_125] : memref<2x10112x128xf32, #tpu.memory_space<hbm>> -> memref<1x632x128xf32, #tpu.memory_space<hbm>>
      %dma_start3A_127 = tpu.memref_squeeze %dma_start3A_126 : memref<1x632x128xf32, #tpu.memory_space<hbm>> -> memref<632x128xf32, #tpu.memory_space<hbm>>
      %dma_start3A_128 = arith.constant 0 : i32
      %dma_start3A_129 = tpu.memref_slice %arg11[%mul3A_122, %dma_start3A_128] : memref<10112x128xf32, #tpu.memory_space<vmem_shared>> -> memref<632x128xf32, #tpu.memory_space<vmem_shared>>
      tpu.enqueue_dma source(%dma_start3A_129 : memref<632x128xf32, #tpu.memory_space<vmem_shared>>) target(%dma_start3A_127 : memref<632x128xf32, #tpu.memory_space<hbm>>) target_semaphore(%run_scoped3A : memref<!tpu.dma_semaphore, #tpu.memory_space<semaphore_mem>>)
      %dma_wait3A_130 = arith.constant 0 : i32
      %dma_wait3A_131 = tpu.memref_slice %arg5[%arg0, %mul3A_124, %dma_wait3A_130] : memref<2x10112x128xf32, #tpu.memory_space<hbm>> -> memref<1x632x128xf32, #tpu.memory_space<hbm>>
      %dma_wait3A_132 = tpu.memref_squeeze %dma_wait3A_131 : memref<1x632x128xf32, #tpu.memory_space<hbm>> -> memref<632x128xf32, #tpu.memory_space<hbm>>
      %dma_wait3A_133 = arith.constant 0 : i32
      %dma_wait3A_134 = tpu.memref_slice %arg11[%mul3A_122, %dma_wait3A_133] : memref<10112x128xf32, #tpu.memory_space<vmem_shared>> -> memref<632x128xf32, #tpu.memory_space<vmem_shared>>
      tpu.wait_dma2 semaphore(%run_scoped3A : memref<!tpu.dma_semaphore, #tpu.memory_space<semaphore_mem>>) src(%dma_wait3A_134 : memref<632x128xf32, #tpu.memory_space<vmem_shared>>) dst(%dma_wait3A_132 : memref<632x128xf32, #tpu.memory_space<hbm>>)
      tpu.yield
    }) : () -> ()
    return
  }
}

module attributes {stable_mosaic.version = 14 : i64} {
  func.func @body(%arg0: i32, %arg1: memref<2x1000x128xf32, #tpu.memory_space<vmem>>, %arg2: memref<128x128xf32, #tpu.memory_space<vmem>>, %arg3: memref<1x128xf32, #tpu.memory_space<vmem>>, %arg4: memref<1000x128xf32, #tpu.memory_space<vmem>>) attributes {dimension_semantics = [#tpu.dimension_semantics<arbitrary>], iteration_bounds = array<i64: 10>, scalar_prefetch = 0 : i64, scratch_operands = 0 : i64, tpu.core_type = #tpu.core_type<tc>, window_params = [{transform_indices = @transform_0, window_bounds = array<i64: 2, 1000, 128>}, {pipeline_mode = #tpu.pipeline_mode<synchronous>, transform_indices = @transform_1, window_bounds = array<i64: 128, 128>}, {pipeline_mode = #tpu.pipeline_mode<synchronous>, transform_indices = @transform_2, window_bounds = array<i64: 1, 128>}, {transform_indices = @transform_3, window_bounds = array<i64: 1000, 128>}]} {
    %get3A = arith.constant 0 : index
    %get3A_0 = arith.constant 0 : index
    %get3A_1 = arith.constant 0 : index
    %get3A_2 = vector.load %arg1[%get3A, %get3A_0, %get3A_1] : memref<2x1000x128xf32, #tpu.memory_space<vmem>>, vector<1x1000x128xf32>
    %get3A_3 = vector.shape_cast %get3A_2 : vector<1x1000x128xf32> to vector<1000x128xf32>
    %get3A_4 = arith.constant 1 : index
    %get3A_5 = arith.constant 0 : index
    %get3A_6 = arith.constant 0 : index
    %get3A_7 = vector.load %arg1[%get3A_4, %get3A_5, %get3A_6] : memref<2x1000x128xf32, #tpu.memory_space<vmem>>, vector<1x1000x128xf32>
    %get3A_8 = vector.shape_cast %get3A_7 : vector<1x1000x128xf32> to vector<1000x128xf32>
    %add3A = arith.addf %get3A_3, %get3A_8 : vector<1000x128xf32>
    %get3A_9 = arith.constant 0 : index
    %get3A_10 = arith.constant 0 : index
    %get3A_11 = vector.load %arg2[%get3A_9, %get3A_10] : memref<128x128xf32, #tpu.memory_space<vmem>>, vector<128x128xf32>
    %dot_general3A = arith.constant dense<0.000000e+00> : vector<1000x128xf32>
    %dot_general3A_12 = tpu.matmul %add3A, %get3A_11, %dot_general3A {dimension_numbers = #tpu.dot_dimension_numbers<[1], [1], [0], [0], [0, 0, 1, 0], [], []>, transpose_lhs_hint = false} : vector<1000x128xf32>, vector<128x128xf32>, vector<1000x128xf32> -> vector<1000x128xf32>
    %get3A_13 = arith.constant 0 : index
    %get3A_14 = arith.constant 0 : index
    %get3A_15 = vector.load %arg3[%get3A_13, %get3A_14] : memref<1x128xf32, #tpu.memory_space<vmem>>, vector<1x128xf32>
    %add3A_16 = vector.broadcast %get3A_15 : vector<1x128xf32> to vector<1000x128xf32>
    %add3A_17 = arith.addf %dot_general3A_12, %add3A_16 : vector<1000x128xf32>
    %swap3A = arith.constant 0 : index
    %swap3A_18 = arith.constant 0 : index
    %swap3A_19 = vector.load %arg4[%swap3A, %swap3A_18] : memref<1000x128xf32, #tpu.memory_space<vmem>>, vector<1000x128xf32>
    tpu.vector_store %arg4[%swap3A, %swap3A_18], %add3A_17 {strides = array<i32>} : memref<1000x128xf32, #tpu.memory_space<vmem>>, vector<1000x128xf32>,
    return
  }
  func.func @transform_0(%arg0: i32) -> (i32, i32, i32) {
    %c0_i32 = arith.constant 0 : i32
    %c0_i32_0 = arith.constant 0 : i32
    %c0_i32_1 = arith.constant 0 : i32
    return %c0_i32, %arg0, %c0_i32_0 : i32, i32, i32
  }
  func.func @transform_1(%arg0: i32) -> (i32, i32) {
    %c0_i32 = arith.constant 0 : i32
    %c0_i32_0 = arith.constant 0 : i32
    %c0_i32_1 = arith.constant 0 : i32
    return %c0_i32, %c0_i32_0 : i32, i32
  }
  func.func @transform_2(%arg0: i32) -> (i32, i32) {
    %c0_i32 = arith.constant 0 : i32
    %c0_i32_0 = arith.constant 0 : i32
    %c0_i32_1 = arith.constant 0 : i32
    return %c0_i32, %c0_i32_0 : i32, i32
  }
  func.func @transform_3(%arg0: i32) -> (i32, i32) {
    %c0_i32 = arith.constant 0 : i32
    %c0_i32_0 = arith.constant 0 : i32
    return %arg0, %c0_i32 : i32, i32
  }
}

</mosaic_0001>

<sc_bundles>
// kernel: kernel.4.cloned.1.call-start
scs
__scs_entry_jumppad:
0x0: {  	(pc) =	sbr.rel $0x88, $3  }
0x1: {  	(tag) =	ssettag $0x0;
	lr =	simm.s32 $0x1  }
0x2: {  	[smem:$0x3F9D] =	sst lr;
	_ =	strace $0xD0000000  }
0x3: {  	_ = 	snop  }
0x4: {  	_ = 	snop  }
0x5: {  	_ = 	snop  }
0x6: {  	_ = 	snop  }
0x7: {  	_ = 	snop  }
__scs_overlays_trampoline_lowered:
0x8: {  	[smem:$0x3FAC] =	sst s0  }
0x9: {  	[smem:$0x3FAD] =	sst s1  }
0xa: {  	[smem:$0x3FAE] =	sst s2  }
0xb: {  	[smem:$0x3FAF] =	sst s3  }
0xc: {  	[smem:$0x3FB0] =	sst s4  }
0xd: {  	[smem:$0x3FB1] =	sst s5  }
0xe: {  	[smem:$0x3FB2] =	sst s6  }
0xf: {  	[smem:$0x3FB3] =	sst s7  }
0x10: {  	[smem:$0x3FB4] =	sst s8  }
0x11: {  	[smem:$0x3FB5] =	sst s9;
	s0 =	simm.s32 @!p0 $0x0  }
0x12: {  	s1 =	sld [smem:$0x3F9B];
	s0 =	simm.s32 @p0 $0x1  }
0x13: {  	[smem:$0x3FB6] =	sst s0;
	s0 =	simm.s32 @!p1 $0x0  }
0x14: {  	s2 =	sld [smem:$0x3F9A];
	s0 =	simm.s32 @p1 $0x1  }
0x15: {  	[smem:$0x3FB7] =	sst s0;
	s0 =	simm.s32 @!p2 $0x0  }
0x16: {  	s3 =	sld [smem:$0x3FDB];
	s0 =	simm.s32 @p2 $0x1  }
0x17: {  	s4 =	simm.s32 $0x1BF5;
	[smem:$0x3FB9] =	sst s0  }
0x18: {  	s0 =	sld [smem:$0x3F9C];
	_ =	swait.ge [sflag:s4], $0x0  }
0x19: {  	s7 =	sld [smem:$0x3F9D]  }
0x1a: {  	s8 =	sadd.s32 $0xFFFFE003, lr  }
0x1b: {  	s9 =	sadd.s32 $0xFFFFFEF7, lr;
	s5 =	simm.s32 $0xFFFFFFFF;
	p2 =	slt.u32 s8, $0xFFFFF086  }
0x1c: {  	p1 =	slt.u32 s9, $0xF7A;
	s5 =	simm.s32 @!p2 $0x0  }
0x1d: {  	s5 =	simm.s32 @p1 $0x1;
	p0 =	seq.s32 s7, s2  }
0x1e: {  	s7 =	smul.u32 @!p0 $0xF7A, s2;
	p2 =	seq.s32 @!p0 s5, $0x0  }
0x1f: {  	s9 =	smul.u32 $0xF7A, s1;
	s8 =	simm.s32 @!p0 $0x1BF5;
	p2 =	por !p2, p0  }
0x20: {  	[sflag:s8] =	ssyncset.s32 @!p0 $0xFFFFF086;
	s6 =	sadd.s32 @!p0 s3, s7;
	s7 =	simm.s32 @!p0 $0x108  }
0x21: {  	s3 =	sadd.s32 s3, s9;
	s6 =	sadd.s32 @!p0 $0x88, s6;
	s7 =	simm.s32 @p2 $0x1082  }
0x22: {  	[simem:s7], [sflag:s8] =	dma.local @!p0 [hbm:s6], $0xF7A  }
0x23: {  	s9 =	sor.u32 $0xD0000000, s2;
	s6 =	simm.s32 $0x108;
	_ =	swait.ge @!p0 [sflag:s8], $0x0  }
0x24: {  	s3 =	sadd.s32 $0x88, s3;
	s6 =	simm.s32 @!p1 $0x1082;
	[sflag:s4] =	ssyncset.s32 $0xFFFFF086  }
0x25: {  	[simem:s6], [sflag:s4] =	dma.local [hbm:s3], $0xF7A  }
0x26: {  	[smem:$0x3F9D] =	sst s1;
	(tag) =	ssettag s2;
	_ =	strace s9  }
0x27: {  	s1 =	sld [smem:$0x3FAD]  }
0x28: {  	s2 =	sld [smem:$0x3FAE]  }
0x29: {  	s4 =	sld [smem:$0x3FB0]  }
0x2a: {  	p0 =	seq.s32 s5, $0x0;
	s5 =	sld [smem:$0x3FB1]  }
0x2b: {  	s6 =	sld [smem:$0x3FB2]  }
0x2c: {  	s7 =	sld [smem:$0x3FB3]  }
0x2d: {  	s3 =	simm.s32 $0x108;
	s8 =	sld [smem:$0x3FB4]  }
0x2e: {  	s3 =	simm.s32 @!p0 $0x1082;
	s9 =	sld [smem:$0x3FB5]  }
0x2f: {  	lr =	sadd.s32 s0, s3;
	s0 =	sld [smem:$0x3FAC]  }
0x30: {  	s3 =	sld [smem:$0x3FAF]  }
0x31: {  	[smem:$0x3FB8] =	sst s10  }
0x32: {  	s10 =	sld [smem:$0x3FB6];
	_ =	sdelay $0x3  }
0x33: {  	p0 =	seq.s32 s10, $0x1;
	s10 =	sld [smem:$0x3FB8];
	_ =	sdelay $0x3  }
0x34: {  	[smem:$0x3FB8] =	sst s10  }
0x35: {  	s10 =	sld [smem:$0x3FB7];
	_ =	sdelay $0x3  }
0x36: {  	p1 =	seq.s32 s10, $0x1;
	s10 =	sld [smem:$0x3FB8];
	_ =	sdelay $0x3  }
0x37: {  	[smem:$0x3FB8] =	sst s10  }
0x38: {  	s10 =	sld [smem:$0x3FB9]  }
0x39: {  	_ = 	snop;
	(pc) =	sbr.ind lr, $3  }
0x3a: {  	_ = 	snop  }
0x3b: {  	_ = 	snop  }
0x3c: {  	p2 =	seq.s32 s10, $0x1;
	s10 =	sld [smem:$0x3FB8]  }
0x3d: {  	_ =	shalt  }
0x3e: {  	_ =	shalt  }
0x3f: {  	_ =	shalt  }
0x40: {  	_ =	shalt  }
0x41: {  	_ =	shalt  }
0x42: {  	_ =	shalt  }
0x43: {  	_ =	shalt  }
0x44: {  	_ =	shalt  }
0x45: {  	_ =	shalt  }
0x46: {  	_ =	shalt  }
0x47: {  	_ =	shalt  }
0x48: {  	_ =	shalt  }
0x49: {  	_ =	shalt  }
0x4a: {  	_ =	shalt  }
0x4b: {  	_ =	shalt  }
0x4c: {  	_ =	shalt  }
0x4d: {  	_ =	shalt  }
0x4e: {  	_ =	shalt  }
0x4f: {  	_ =	shalt  }
0x50: {  	_ =	shalt  }
0x51: {  	_ =	shalt  }
0x52: {  	_ =	shalt  }
0x53: {  	_ =	shalt  }
0x54: {  	_ =	shalt  }
0x55: {  	_ =	shalt  }
0x56: {  	_ =	shalt  }
0x57: {  	_ =	shalt  }
0x58: {  	_ =	shalt  }
0x59: {  	_ =	shalt  }
0x5a: {  	_ =	shalt  }
0x5b: {  	_ =	shalt  }
0x5c: {  	_ =	shalt  }
0x5d: {  	_ =	shalt  }
0x5e: {  	_ =	shalt  }
0x5f: {  	_ =	shalt  }
0x60: {  	_ =	shalt  }
0x61: {  	_ =	shalt  }
0x62: {  	_ =	shalt  }
0x63: {  	_ =	shalt  }
0x64: {  	_ =	shalt  }
0x65: {  	_ =	shalt  }
0x66: {  	_ =	shalt  }
0x67: {  	_ =	shalt  }
0x68: {  	_ =	shalt  }
0x69: {  	_ =	shalt  }
0x6a: {  	_ =	shalt  }
0x6b: {  	_ =	shalt  }
0x6c: {  	_ =	shalt  }
0x6d: {  	_ =	shalt  }
0x6e: {  	_ =	shalt  }
0x6f: {  	_ =	shalt  }
0x70: {  	_ =	shalt  }
0x71: {  	_ =	shalt  }
0x72: {  	_ =	shalt  }
0x73: {  	_ =	shalt  }
0x74: {  	_ =	shalt  }
0x75: {  	_ =	shalt  }
0x76: {  	_ =	shalt  }
0x77: {  	_ =	shalt  }
0x78: {  	_ =	shalt  }
0x79: {  	_ =	shalt  }
0x7a: {  	_ =	shalt  }
0x7b: {  	_ =	shalt  }
0x7c: {  	_ =	shalt  }
0x7d: {  	_ =	shalt  }
0x7e: {  	_ =	shalt  }
0x7f: {  	_ =	shalt  }
0x80: {  	_ =	shalt  }
0x81: {  	_ =	shalt  }
0x82: {  	_ =	shalt  }
0x83: {  	_ =	shalt  }
0x84: {  	_ =	shalt  }
0x85: {  	_ =	shalt  }
0x86: {  	_ =	shalt  }
0x87: {  	_ =	shalt  }
.Lfunc_end0:
.L_simem_size_0:
called_computation_lowered:
.L_overlay_start_0:
0x88: {  	s2 =	sld [smem:$0x3FD9]  }
0x89: {  	s3 =	sld [smem:$0x3FFE];
	_ =	sdelay $0x1  }
0x8a: {  	s1 =	srdreg.scid  }
0x8b: {  	s0 =	sand.u32 $0x1, s1  }
0x8c: {  	s17 =	sshll.u32 s0, $0xA;
	s2 =	sadd.s32 s3, s2  }
0x8d: {  	s2 =	sadd.s32 s2, s17  }
0x8e: {  	[smem:$0x3FC4] =	sst s2  }
0x8f: {  	_ = 	snop  }
0x90: {  	s2 =	sld [smem:$0x3FC9]  }
0x91: {  	s18 =	sld [smem:$0x3FD0];
	(tm) =	ssettm $0x1  }
0x92: {  	s4 =	sld [smem:$0x3FFB];
	_ =	sdelay $0x3  }
0x93: {  	_ =	strace s4  }
0x94: {  	s4 =	sld [smem:$0x3FFC];
	_ =	sdelay $0x3  }
0x95: {  	_ =	strace s4  }
0x96: {  	s4 =	sld [smem:$0x3FFD];
	_ =	sdelay $0x3  }
0x97: {  	_ =	strace s4  }
0x98: {  	_ =	strace $0x8FFFFFFF  }
0x99: {  	s19 =	sld [smem:$0x3FDB];
	_ =	sdelay $0x1  }
0x9a: {  	s5 =	simm.s32 $_scs_section_size  }
0x9b: {  	s6 =	simm.s32 $_size__tile_overlayer_lowered;
	s7 =	simm.s32 $_tile_overlayer_lowered  }
0x9c: {  	s22 =	simm.s32 $0x1BFF;
	s21 =	sshll.u32 s7, $0x1;
	s4 =	sadd.s32 s5, s19  }
0x9d: {  	s8 =	simm.s32 $0x0;
	s20 =	sshll.u32 s6, $0x1;
	s6 =	sadd.s32 s21, s4  }
0x9e: {  	[timem:s8], [sflag:s22] =	dma.local [hbm:s6], s20  }
0x9f: {  	_ =	swait.ge [sflag:s22], s20  }
0xa0: {  	s5 =	ssub.s32 $0x0, s20;
	[sflag:s22] =	ssyncset.done $0x0  }
0xa1: {  	[sflag:s22] =	ssyncadd.s32 s5;
	_ =	sdelay $0x1  }
0xa2: {  	s23 =	simm.s32 $0x1B8B  }
0xa3: {  	_ =	swait.ge [sflag:s23], $0x1  }
0xa4: {  	[sflag:s23] =	ssyncset.done $0x0  }
0xa5: {  	s25 =	simm.s32 $0x1B8E;
	s24 =	sld [smem:$0x3FFE];
	[sflag:s23] =	ssyncadd.s32 $0xFFFFFFFF  }
0xa6: {  	s26 =	simm.s32 $execute0_lowered;
	[smem:$0x3FD2] =	sst s25  }
0xa7: {  	s6 =	sshll.u32 s26, $0x1;
	_ =	strace $0x80000046;
	[dreg:$0x1] =	wrdreg $0xFFFFFFFF  }
0xa8: {  	s28 =	simm.s32 $_size_execute0_lowered;
	s4 =	sadd.s32 s4, s6;
	[dreg:$0x0] =	wrdreg $0x0  }
0xa9: {  	s6 =	sshll.u32 s28, $0x1;
	[dreg:$0x2] =	wrdreg s4  }
0xaa: {  	[dreg:$0x3] =	wrdreg s6  }
0xab: {  	[dreg:$0x4] =	wrdreg $0xC0  }
0xac: {  	_ =	task [dreg:s8], $0x5FFFF  }
0xad: {  	[dreg:$0x1] =	wrdreg $0xFFFFFFFF  }
0xae: {  	[dreg:$0x0] =	wrdreg $0x60  }
0xaf: {  	[dreg:$0x2] =	wrdreg s2  }
0xb0: {  	[dreg:$0x3] =	wrdreg s18  }
0xb1: {  	[dreg:$0x4] =	wrdreg s24  }
0xb2: {  	[dreg:$0x5] =	wrdreg $0xC4000  }
0xb3: {  	[dreg:$0x6] =	wrdreg $0x9  }
0xb4: {  	_ =	task.clear_ibuf [dreg:s8], $0x7FFFF;
	_ =	strace $0x90000046  }
0xb5: {  	s29 =	simm.s32 $0x9;
	_ =	strace $0x80000048  }
0xb6: {  	_ =	swait.ge [sflag:s29], $0x1  }
0xb7: {  	[sflag:s29] =	ssyncadd.s32 $0xFFFFFFFF  }
0xb8: {  	_ =	strace $0x90000048  }
0xb9: {  	_ =	sfence  }
0xba: {  	s30 =	sld [smem:$0x0];
	_ =	sdelay $0x2  }
0xbb: {  	s31 =	sshll.u32 s1, $0xD;
	s1 =	sshrl.u32 s1, $0x2  }
0xbc: {  	s3 =	sand.u32 $0x4000, s31;
	s1 =	sadd.s32 s1, s30  }
0xbd: {  	s0 =	sor.u32 s3, s0;
	s1 =	sshll.u32 s1, $0x11  }
0xbe: {  	s0 =	sor.u32 s1, s0  }
0xbf: {  	s0 =	sadd.s32 $0x8F2B, s0  }
0xc0: {  	[sflag:s0] =	ssyncadd.remote.s32 $0x1  }
0xc1: {  	_ =	sfence.sel $0xFFFF  }
0xc2: {  	[dreg:$0x0] =	wrdreg $0xFFFFFFFF;
	(pc) =	sbr.abs _section_cstart, $3  }
0xc3: {  	[dreg:$0x1] =	wrdreg $0xFFFFFFFF  }
0xc4: {  	_ =	task.clear_ibuf [dreg:s8], $0x2FFFF;
	_ =	strace $0x9FFFFFFF  }
0xc5: {  	(tm) =	ssettm $0x7FFFFFFF  }
tec
execute0_lowered:
.L_overlay_start_1:
0x0: {  	(tag) =	ssettag $0x1  }
0x1: {  	s0 =	rddreg [dreg:$0x0]  }
0x2: {  	s1 =	rddreg [dreg:$0x1]  }
0x3: {  	s2 =	rddreg [dreg:$0x2]  }
0x4: {  	s4 =	srdreg.scid;
	s3 =	rddreg [dreg:$0x3]  }
0x5: {  	s11 =	stileid.u32;
	s19 =	simm.s32 $0x4;
	s20 =	simm.s32 $0x8400  }
0x6: {  	s28 =	simm.s32 $0x2;
	s29 =	simm.s32 $0x3;
	s30 =	simm.s32 $0xA000  }
0x7: {  	s31 =	simm.s32 $0xBF00;
	s6 =	sand.u32 $0x1, s4;
	s7 =	smul.u32 $0x13C00, s11  }
0x8: {  	s4 =	simm.s32 $0x0;
	s8 =	smul.u32 $0x4F000, s11;
	s9 =	sadd.s32 $0x400, s2  }
0x9: {  	s24 =	sshll.u32 s11, $0xC;
	s5 =	smul.u32 $0x13C000, s6;
	[smem:$0x7FF] =	sst s4  }
0xa: {  	s21 =	ssub.s32 $0x2, s6;
	s6 =	sshll.u32 s6, $0xB;
	_ =	strace $0x80000047  }
0xb: {  	s8 =	sshrl.u32 s8, $0x2;
	s10 =	sshrl.u32 s21, $0x1;
	s5 =	sadd.s32 s7, s5  }
0xc: {  	s6 =	sor.u32 s6, s24;
	s24 =	simm.s32 $0x2C00;
	s5 =	sshrl.u32 s5, $0x3  }
0xd: {  	s7 =	ssub.s32 s21, s10;
	s2 =	sadd.s32 s5, s2;
	s5 =	sadd.s32 s8, s3  }
0xe: {  	s13 =	sadd.s32 s1, s6;
	s14 =	sadd.s32 s9, s6;
	s8 =	sadd.s32 $0x2C00, s5  }
0xf: {  	s21 =	simm.s32 $0xA400;
	s22 =	sadd.s32 $0x5800, s5;
	[dreg:$0x5] =	wrdreg s8  }
0x10: {  	s18 =	smax.u32 s7, $0x1;
	s23 =	sadd.s32 $0x8400, s5;
	[dreg:$0x6] =	wrdreg s22  }
0x11: {  	s25 =	sadd.s32 $0xB000, s5;
	s26 =	sadd.s32 $0xDC00, s5;
	[dreg:$0x7] =	wrdreg s23  }
0x12: {  	s11 =	sadd.s32 $0x10800, s5;
	s12 =	sadd.s32 $0x13400, s5;
	[dreg:$0x8] =	wrdreg s25  }
0x13: {  	s17 =	sadd.s32 $0x10400, s2;
	s2 =	simm.s32 $0xC000;
	[dreg:$0x9] =	wrdreg s26  }
0x14: {  	s8 =	sor.u32 $0x400, s6;
	s22 =	simm.s32 $0x58;
	s23 =	simm.s32 $0x8480  }
0x15: {  	s25 =	simm.s32 $0x1;
	s26 =	simm.s32 $0x5800;
	s6 =	simm.s32 $0x0  }
0x16: {  	v0 =	vimm.f32 $0.0e+00;
	s15 =	sadd.s32 s1, s8;
	s16 =	sadd.s32 s9, s8;
	s1 =	simm.s32 $0xBF80  }
.LBB2_1:
0x17: {  	s7 =	sand.u32 $0xFE00, s4  }
0x18: {  	s8 =	sand.u32 $0x70, s4;
	s9 =	sshrl.u32 s7, $0x2  }
0x19: {  	s7 =	simm.s32 $0x40;
	s9 =	sor.u32 s8, s9;
	s8 =	simm.s32 $0x0  }
.LBB2_2:
0x1a: {  	p0 =	sne.s32 s7, $0xAFC0  }
0x1b: {  	[tilespmem:s9+$0x0] =	vst v0;
	s8 =	sadd.s32 $0x10, s8;
	s9 =	smov.u32 s7;
	s7 =	sadd.s32 $0x40, s7  }
.Ltmp0:
0x1c: {  	(pc) =	sbr.rel @p0 .LBB2_2-.Ltmp0, $4  }
0x1d: {  	_ = 	snop  }
0x1e: {  	s9 =	sand.u32 $0xFE00, s9  }
0x1f: {  	s10 =	sand.u32 $0x70, s8;
	s9 =	sshrl.u32 s9, $0x2  }
0x20: {  	s9 =	sor.u32 s10, s9  }
0x21: {  	[tilespmem:s9+$0x0] =	vst v0;
	s7 =	simm.s32 $0x0  }
0x22: {  	[spmem:s5] =	stream.linear.scatter [tilespmem:s7], [sflag:$0x4], $0x2C00, $0x38;
	v63 =	vld [tilespmem:$0x0]  }
0x23: {  	_ =	swait.ge [sflag:s19], $0x2C00  }
0x24: {  	[sflag:s19] =	ssyncset.done $0x0  }
0x25: {  	s8 =	rddreg [dreg:$0x5];
	[sflag:s19] =	ssyncadd.s32 $0xFFFFD400  }
0x26: {  	[spmem:s8] =	stream.linear.scatter [tilespmem:s7], [sflag:$0x4], $0x2C00, $0x38;
	v63 =	vld [tilespmem:$0x0]  }
0x27: {  	_ =	swait.ge [sflag:s19], $0x2C00  }
0x28: {  	[sflag:s19] =	ssyncset.done $0x0  }
0x29: {  	s9 =	rddreg [dreg:$0x6];
	[sflag:s19] =	ssyncadd.s32 $0xFFFFD400  }
0x2a: {  	[spmem:s9] =	stream.linear.scatter [tilespmem:s7], [sflag:$0x4], $0x2C00, $0x38;
	v63 =	vld [tilespmem:$0x0]  }
0x2b: {  	_ =	swait.ge [sflag:s19], $0x2C00  }
0x2c: {  	[sflag:s19] =	ssyncset.done $0x0  }
0x2d: {  	s10 =	rddreg [dreg:$0x7];
	[sflag:s19] =	ssyncadd.s32 $0xFFFFD400  }
0x2e: {  	[spmem:s10] =	stream.linear.scatter [tilespmem:s7], [sflag:$0x4], $0x2C00, $0x38;
	v63 =	vld [tilespmem:$0x0]  }
0x2f: {  	_ =	swait.ge [sflag:s19], $0x2C00  }
0x30: {  	[sflag:s19] =	ssyncset.done $0x0  }
0x31: {  	s9 =	rddreg [dreg:$0x8];
	[sflag:s19] =	ssyncadd.s32 $0xFFFFD400  }
0x32: {  	[spmem:s9] =	stream.linear.scatter [tilespmem:s7], [sflag:$0x4], $0x2C00, $0x38;
	v63 =	vld [tilespmem:$0x0]  }
0x33: {  	_ =	swait.ge [sflag:s19], $0x2C00  }
0x34: {  	[sflag:s19] =	ssyncset.done $0x0  }
0x35: {  	s10 =	rddreg [dreg:$0x9];
	[sflag:s19] =	ssyncadd.s32 $0xFFFFD400  }
0x36: {  	[spmem:s10] =	stream.linear.scatter [tilespmem:s7], [sflag:$0x4], $0x2C00, $0x38;
	v63 =	vld [tilespmem:$0x0]  }
0x37: {  	_ =	swait.ge [sflag:s19], $0x2C00  }
0x38: {  	[sflag:s19] =	ssyncset.done $0x0  }
0x39: {  	[sflag:s19] =	ssyncadd.s32 $0xFFFFD400  }
0x3a: {  	[spmem:s11] =	stream.linear.scatter [tilespmem:s7], [sflag:$0x4], $0x2C00, $0x38;
	v63 =	vld [tilespmem:$0x0]  }
0x3b: {  	_ =	swait.ge [sflag:s19], $0x2C00  }
0x3c: {  	[sflag:s19] =	ssyncset.done $0x0  }
0x3d: {  	[sflag:s19] =	ssyncadd.s32 $0xFFFFD400  }
0x3e: {  	[spmem:s12] =	stream.linear.scatter [tilespmem:s7], [sflag:$0x4], $0x800, $0x38;
	v63 =	vld [tilespmem:$0x0]  }
0x3f: {  	_ =	swait.ge [sflag:s19], $0x800  }
0x40: {  	[sflag:s19] =	ssyncset.done $0x0  }
0x41: {  	[sflag:s19] =	ssyncadd.s32 $0xFFFFF800  }
0x42: {  	[bflag:$0x0] =	sbarrier.arrive $0xFFFF  }
0x43: {  	[tilespmem:s20], [sflag:$0x4] =	stream.linear.gather [hbm4b:s13+s7], $0x1C80, $0x38;
	v63 =	vld [tilespmem:$0x0]  }
0x44: {  	_ =	swait.ge [sflag:s19], $0x1C80  }
0x45: {  	[sflag:s19] =	ssyncset.done $0x0  }
0x46: {  	[sflag:s19] =	ssyncadd.s32 $0xFFFFE380  }
0x47: {  	[tilespmem:s21], [sflag:$0x4] =	stream.linear.gather [hbm4b:s14+s7], $0x1C80, $0x38;
	v63 =	vld [tilespmem:$0x0]  }
0x48: {  	_ =	swait.ge [sflag:s19], $0x1C80  }
0x49: {  	[sflag:s19] =	ssyncset.done $0x0  }
0x4a: {  	[sflag:s19] =	ssyncadd.s32 $0xFFFFE380  }
0x4b: {  	[tilespmem:s7], [sflag:$0x1] =	stream.indirect.gather [hbm4b:s0+s22], $0x80, s20, s22, $0xb8;
	v63 =	vld [tilespmem:$0x0]  }
0x4c: {  	_ = 	snop  }
0x4d: {  	[tilespmem:s24], [sflag:$0x2] =	stream.indirect.gather [hbm4b:s0+s22], $0x80, s23, s22, $0xb8;
	v63 =	vld [tilespmem:$0x0]  }
0x4e: {  	_ =	swait.ge [sflag:s25], $0x2C00  }
0x4f: {  	[sflag:s25] =	ssyncset.done $0x0  }
0x50: {  	s8 =	simm.s32 $0x8500;
	[sflag:s25] =	ssyncadd.s32 $0xFFFFD400  }
0x51: {  	[tilespmem:s26], [sflag:$0x3] =	stream.indirect.gather [hbm4b:s0+s22], $0x80, s8, s22, $0xb8;
	v63 =	vld [tilespmem:$0x0]  }
0x52: {  	s9 =	simm.s32 $0xA400  }
0x53: {  	[spmem:s3] =	stream.indirect.scatter.add.f32 [tilespmem:s4], [sflag:$0x4], $0x80, s9, s22, $0xb8;
	v63 =	vld [tilespmem:$0x0]  }
0x54: {  	_ =	swait.ge [sflag:s19], $0x2C00  }
0x55: {  	[sflag:s19] =	ssyncset.done $0x0  }
0x56: {  	[sflag:s19] =	ssyncadd.s32 $0xFFFFD400  }
0x57: {  	_ =	swait.ge [sflag:s28], $0x2C00  }
0x58: {  	[sflag:s28] =	ssyncset.done $0x0  }
0x59: {  	s10 =	simm.s32 $0x8580;
	[sflag:s28] =	ssyncadd.s32 $0xFFFFD400  }
0x5a: {  	[tilespmem:s4], [sflag:$0x1] =	stream.indirect.gather [hbm4b:s0+s22], $0x80, s10, s22, $0xb8;
	v63 =	vld [tilespmem:$0x0]  }
0x5b: {  	s8 =	simm.s32 $0xA480  }
0x5c: {  	[spmem:s3] =	stream.indirect.scatter.add.f32 [tilespmem:s24], [sflag:$0x4], $0x80, s8, s22, $0xb8;
	v63 =	vld [tilespmem:$0x0]  }
0x5d: {  	_ =	swait.ge [sflag:s19], $0x2C00  }
0x5e: {  	[sflag:s19] =	ssyncset.done $0x0  }
0x5f: {  	[sflag:s19] =	ssyncadd.s32 $0xFFFFD400  }
0x60: {  	_ =	swait.ge [sflag:s29], $0x2C00  }
0x61: {  	[sflag:s29] =	ssyncset.done $0x0  }
0x62: {  	s9 =	simm.s32 $0x8600;
	[sflag:s29] =	ssyncadd.s32 $0xFFFFD400  }
0x63: {  	[tilespmem:s24], [sflag:$0x2] =	stream.indirect.gather [hbm4b:s0+s22], $0x80, s9, s22, $0xb8;
	v63 =	vld [tilespmem:$0x0]  }
0x64: {  	s10 =	simm.s32 $0xA500  }
0x65: {  	[spmem:s3] =	stream.indirect.scatter.add.f32 [tilespmem:s26], [sflag:$0x4], $0x80, s10, s22, $0xb8;
	v63 =	vld [tilespmem:$0x0]  }
0x66: {  	_ =	swait.ge [sflag:s19], $0x2C00  }
0x67: {  	s7 =	simm.s32 $0x600;
	[sflag:s19] =	ssyncset.done $0x0  }
.LBB2_4:
0x68: {  	p0 =	sne.s32 s7, $0x6600  }
0x69: {  	[sflag:s19] =	ssyncadd.s32 $0xFFFFD400;
	s8 =	smov.u32 s7;
	s7 =	sadd.s32 $0x600, s7  }
0x6a: {  	_ = 	snop  }
0x6b: {  	_ =	swait.ge [sflag:s25], $0x2C00  }
0x6c: {  	s8 =	sshra.s32 s8, $0x2;
	[sflag:s25] =	ssyncset.done $0x0  }
0x6d: {  	s9 =	sadd.s32 $0x8500, s8;
	[sflag:s25] =	ssyncadd.s32 $0xFFFFD400  }
0x6e: {  	[tilespmem:s26], [sflag:$0x3] =	stream.indirect.gather [hbm4b:s0+s22], $0x80, s9, s22, $0xb8;
	v63 =	vld [tilespmem:$0x0]  }
0x6f: {  	s9 =	sadd.s32 $0xA400, s8  }
0x70: {  	[spmem:s3] =	stream.indirect.scatter.add.f32 [tilespmem:s4], [sflag:$0x4], $0x80, s9, s22, $0xb8;
	v63 =	vld [tilespmem:$0x0]  }
0x71: {  	_ =	swait.ge [sflag:s19], $0x2C00  }
0x72: {  	[sflag:s19] =	ssyncset.done $0x0  }
0x73: {  	[sflag:s19] =	ssyncadd.s32 $0xFFFFD400  }
0x74: {  	_ =	swait.ge [sflag:s28], $0x2C00  }
0x75: {  	[sflag:s28] =	ssyncset.done $0x0  }
0x76: {  	s9 =	sadd.s32 $0x8580, s8;
	[sflag:s28] =	ssyncadd.s32 $0xFFFFD400  }
0x77: {  	[tilespmem:s4], [sflag:$0x1] =	stream.indirect.gather [hbm4b:s0+s22], $0x80, s9, s22, $0xb8;
	v63 =	vld [tilespmem:$0x0]  }
0x78: {  	s9 =	sadd.s32 $0xA480, s8  }
0x79: {  	[spmem:s3] =	stream.indirect.scatter.add.f32 [tilespmem:s24], [sflag:$0x4], $0x80, s9, s22, $0xb8;
	v63 =	vld [tilespmem:$0x0]  }
0x7a: {  	_ =	swait.ge [sflag:s19], $0x2C00  }
0x7b: {  	[sflag:s19] =	ssyncset.done $0x0  }
0x7c: {  	[sflag:s19] =	ssyncadd.s32 $0xFFFFD400  }
0x7d: {  	_ =	swait.ge [sflag:s29], $0x2C00  }
0x7e: {  	[sflag:s29] =	ssyncset.done $0x0  }
0x7f: {  	s9 =	sadd.s32 $0x8600, s8;
	[sflag:s29] =	ssyncadd.s32 $0xFFFFD400  }
0x80: {  	[tilespmem:s24], [sflag:$0x2] =	stream.indirect.gather [hbm4b:s0+s22], $0x80, s9, s22, $0xb8;
	v63 =	vld [tilespmem:$0x0]  }
.Ltmp1:
0x81: {  	_ = 	snop;
	(pc) =	sbr.rel @p0 .LBB2_4-.Ltmp1, $4  }
0x82: {  	s8 =	sadd.s32 $0xA500, s8  }
0x83: {  	[spmem:s3] =	stream.indirect.scatter.add.f32 [tilespmem:s26], [sflag:$0x4], $0x80, s8, s22, $0xb8;
	v63 =	vld [tilespmem:$0x0]  }
0x84: {  	_ =	swait.ge [sflag:s19], $0x2C00  }
0x85: {  	[sflag:s19] =	ssyncset.done $0x0  }
0x86: {  	[sflag:s19] =	ssyncadd.s32 $0xFFFFD400  }
0x87: {  	_ =	swait.ge [sflag:s25], $0x2C00  }
0x88: {  	[sflag:s25] =	ssyncset.done $0x0  }
0x89: {  	[sflag:s25] =	ssyncadd.s32 $0xFFFFD400  }
0x8a: {  	[tilespmem:s26], [sflag:$0x3] =	stream.indirect.gather [hbm4b:s0+s22], $0x80, s30, s22, $0xb8;
	v63 =	vld [tilespmem:$0x0]  }
0x8b: {  	s7 =	simm.s32 $0x0  }
0x8c: {  	[spmem:s3] =	stream.indirect.scatter.add.f32 [tilespmem:s7], [sflag:$0x4], $0x80, s31, s22, $0xb8;
	v63 =	vld [tilespmem:$0x0]  }
0x8d: {  	_ =	swait.ge [sflag:s19], $0x2C00  }
0x8e: {  	[sflag:s19] =	ssyncset.done $0x0  }
0x8f: {  	[sflag:s19] =	ssyncadd.s32 $0xFFFFD400  }
0x90: {  	_ =	swait.ge [sflag:s28], $0x2C00  }
0x91: {  	[sflag:s28] =	ssyncset.done $0x0  }
0x92: {  	[sflag:s28] =	ssyncadd.s32 $0xFFFFD400  }
0x93: {  	[tilespmem:s7], [sflag:$0x1] =	stream.indirect.gather [hbm4b:s0+s22], $0x80, s30, s22, $0xb8;
	v63 =	vld [tilespmem:$0x0]  }
0x94: {  	_ = 	snop  }
0x95: {  	[spmem:s3] =	stream.indirect.scatter.add.f32 [tilespmem:s24], [sflag:$0x4], $0x80, s1, s22, $0xb8;
	v63 =	vld [tilespmem:$0x0]  }
0x96: {  	_ =	swait.ge [sflag:s19], $0x2C00  }
0x97: {  	[sflag:s19] =	ssyncset.done $0x0  }
0x98: {  	[sflag:s19] =	ssyncadd.s32 $0xFFFFD400  }
0x99: {  	_ =	swait.ge [sflag:s29], $0x2C00  }
0x9a: {  	[sflag:s29] =	ssyncset.done $0x0  }
0x9b: {  	[sflag:s29] =	ssyncadd.s32 $0xFFFFD400  }
0x9c: {  	[tilespmem:s24], [sflag:$0x2] =	stream.indirect.gather [hbm4b:s0+s22], $0x80, s30, s22, $0xb8;
	v63 =	vld [tilespmem:$0x0]  }
0x9d: {  	_ = 	snop  }
0x9e: {  	[spmem:s3] =	stream.indirect.scatter.add.f32 [tilespmem:s26], [sflag:$0x4], $0x80, s2, s22, $0xb8;
	v63 =	vld [tilespmem:$0x0]  }
0x9f: {  	_ =	swait.ge [sflag:s19], $0x2C00  }
0xa0: {  	[sflag:s19] =	ssyncset.done $0x0  }
0xa1: {  	[sflag:s19] =	ssyncadd.s32 $0xFFFFD400  }
0xa2: {  	_ =	swait.ge [sflag:s25], $0x2C00  }
0xa3: {  	[sflag:s25] =	ssyncset.done $0x0  }
0xa4: {  	[sflag:s25] =	ssyncadd.s32 $0xFFFFD400  }
0xa5: {  	_ =	swait.ge [sflag:s28], $0x2C00  }
0xa6: {  	[sflag:s28] =	ssyncset.done $0x0  }
0xa7: {  	[sflag:s28] =	ssyncadd.s32 $0xFFFFD400  }
0xa8: {  	[tilespmem:s20], [sflag:$0x4] =	stream.linear.gather [hbm4b:s15+s7], $0x1C80, $0x38;
	v63 =	vld [tilespmem:$0x0]  }
0xa9: {  	_ =	swait.ge [sflag:s19], $0x1C80  }
0xaa: {  	[sflag:s19] =	ssyncset.done $0x0  }
0xab: {  	[sflag:s19] =	ssyncadd.s32 $0xFFFFE380  }
0xac: {  	[tilespmem:s21], [sflag:$0x4] =	stream.linear.gather [hbm4b:s16+s7], $0x1C80, $0x38;
	v63 =	vld [tilespmem:$0x0]  }
0xad: {  	_ =	swait.ge [sflag:s19], $0x1C80  }
0xae: {  	[sflag:s19] =	ssyncset.done $0x0  }
0xaf: {  	[sflag:s19] =	ssyncadd.s32 $0xFFFFE380  }
0xb0: {  	[tilespmem:s7], [sflag:$0x1] =	stream.indirect.gather [hbm4b:s0+s22], $0x80, s20, s22, $0xb8;
	v63 =	vld [tilespmem:$0x0]  }
0xb1: {  	_ = 	snop  }
0xb2: {  	[tilespmem:s24], [sflag:$0x2] =	stream.indirect.gather [hbm4b:s0+s22], $0x80, s23, s22, $0xb8;
	v63 =	vld [tilespmem:$0x0]  }
0xb3: {  	_ =	swait.ge [sflag:s25], $0x2C00  }
0xb4: {  	[sflag:s25] =	ssyncset.done $0x0  }
0xb5: {  	s8 =	simm.s32 $0x8500;
	[sflag:s25] =	ssyncadd.s32 $0xFFFFD400  }
0xb6: {  	[tilespmem:s26], [sflag:$0x3] =	stream.indirect.gather [hbm4b:s0+s22], $0x80, s8, s22, $0xb8;
	v63 =	vld [tilespmem:$0x0]  }
0xb7: {  	s9 =	simm.s32 $0xA400  }
0xb8: {  	[spmem:s3] =	stream.indirect.scatter.add.f32 [tilespmem:s4], [sflag:$0x4], $0x80, s9, s22, $0xb8;
	v63 =	vld [tilespmem:$0x0]  }
0xb9: {  	_ =	swait.ge [sflag:s19], $0x2C00  }
0xba: {  	[sflag:s19] =	ssyncset.done $0x0  }
0xbb: {  	[sflag:s19] =	ssyncadd.s32 $0xFFFFD400  }
0xbc: {  	_ =	swait.ge [sflag:s28], $0x2C00  }
0xbd: {  	[sflag:s28] =	ssyncset.done $0x0  }
0xbe: {  	s10 =	simm.s32 $0x8580;
	[sflag:s28] =	ssyncadd.s32 $0xFFFFD400  }
0xbf: {  	[tilespmem:s4], [sflag:$0x1] =	stream.indirect.gather [hbm4b:s0+s22], $0x80, s10, s22, $0xb8;
	v63 =	vld [tilespmem:$0x0]  }
0xc0: {  	s8 =	simm.s32 $0xA480  }
0xc1: {  	[spmem:s3] =	stream.indirect.scatter.add.f32 [tilespmem:s24], [sflag:$0x4], $0x80, s8, s22, $0xb8;
	v63 =	vld [tilespmem:$0x0]  }
0xc2: {  	_ =	swait.ge [sflag:s19], $0x2C00  }
0xc3: {  	[sflag:s19] =	ssyncset.done $0x0  }
0xc4: {  	[sflag:s19] =	ssyncadd.s32 $0xFFFFD400  }
0xc5: {  	_ =	swait.ge [sflag:s29], $0x2C00  }
0xc6: {  	[sflag:s29] =	ssyncset.done $0x0  }
0xc7: {  	s9 =	simm.s32 $0x8600;
	[sflag:s29] =	ssyncadd.s32 $0xFFFFD400  }
0xc8: {  	[tilespmem:s24], [sflag:$0x2] =	stream.indirect.gather [hbm4b:s0+s22], $0x80, s9, s22, $0xb8;
	v63 =	vld [tilespmem:$0x0]  }
0xc9: {  	s10 =	simm.s32 $0xA500  }
0xca: {  	[spmem:s3] =	stream.indirect.scatter.add.f32 [tilespmem:s26], [sflag:$0x4], $0x80, s10, s22, $0xb8;
	v63 =	vld [tilespmem:$0x0]  }
0xcb: {  	_ =	swait.ge [sflag:s19], $0x2C00  }
0xcc: {  	s7 =	simm.s32 $0x600;
	[sflag:s19] =	ssyncset.done $0x0  }
.LBB2_6:
0xcd: {  	p0 =	sne.s32 s7, $0x6600  }
0xce: {  	[sflag:s19] =	ssyncadd.s32 $0xFFFFD400;
	s8 =	smov.u32 s7;
	s7 =	sadd.s32 $0x600, s7  }
0xcf: {  	_ = 	snop  }
0xd0: {  	_ =	swait.ge [sflag:s25], $0x2C00  }
0xd1: {  	s8 =	sshra.s32 s8, $0x2;
	[sflag:s25] =	ssyncset.done $0x0  }
0xd2: {  	s9 =	sadd.s32 $0x8500, s8;
	[sflag:s25] =	ssyncadd.s32 $0xFFFFD400  }
0xd3: {  	[tilespmem:s26], [sflag:$0x3] =	stream.indirect.gather [hbm4b:s0+s22], $0x80, s9, s22, $0xb8;
	v63 =	vld [tilespmem:$0x0]  }
0xd4: {  	s9 =	sadd.s32 $0xA400, s8  }
0xd5: {  	[spmem:s3] =	stream.indirect.scatter.add.f32 [tilespmem:s4], [sflag:$0x4], $0x80, s9, s22, $0xb8;
	v63 =	vld [tilespmem:$0x0]  }
0xd6: {  	_ =	swait.ge [sflag:s19], $0x2C00  }
0xd7: {  	[sflag:s19] =	ssyncset.done $0x0  }
0xd8: {  	[sflag:s19] =	ssyncadd.s32 $0xFFFFD400  }
0xd9: {  	_ =	swait.ge [sflag:s28], $0x2C00  }
0xda: {  	[sflag:s28] =	ssyncset.done $0x0  }
0xdb: {  	s9 =	sadd.s32 $0x8580, s8;
	[sflag:s28] =	ssyncadd.s32 $0xFFFFD400  }
0xdc: {  	[tilespmem:s4], [sflag:$0x1] =	stream.indirect.gather [hbm4b:s0+s22], $0x80, s9, s22, $0xb8;
	v63 =	vld [tilespmem:$0x0]  }
0xdd: {  	s9 =	sadd.s32 $0xA480, s8  }
0xde: {  	[spmem:s3] =	stream.indirect.scatter.add.f32 [tilespmem:s24], [sflag:$0x4], $0x80, s9, s22, $0xb8;
	v63 =	vld [tilespmem:$0x0]  }
0xdf: {  	_ =	swait.ge [sflag:s19], $0x2C00  }
0xe0: {  	[sflag:s19] =	ssyncset.done $0x0  }
0xe1: {  	[sflag:s19] =	ssyncadd.s32 $0xFFFFD400  }
0xe2: {  	_ =	swait.ge [sflag:s29], $0x2C00  }
0xe3: {  	[sflag:s29] =	ssyncset.done $0x0  }
0xe4: {  	s9 =	sadd.s32 $0x8600, s8;
	[sflag:s29] =	ssyncadd.s32 $0xFFFFD400  }
0xe5: {  	[tilespmem:s24], [sflag:$0x2] =	stream.indirect.gather [hbm4b:s0+s22], $0x80, s9, s22, $0xb8;
	v63 =	vld [tilespmem:$0x0]  }
.Ltmp2:
0xe6: {  	_ = 	snop;
	(pc) =	sbr.rel @p0 .LBB2_6-.Ltmp2, $4  }
0xe7: {  	s8 =	sadd.s32 $0xA500, s8  }
0xe8: {  	[spmem:s3] =	stream.indirect.scatter.add.f32 [tilespmem:s26], [sflag:$0x4], $0x80, s8, s22, $0xb8;
	v63 =	vld [tilespmem:$0x0]  }
0xe9: {  	_ =	swait.ge [sflag:s19], $0x2C00  }
0xea: {  	[sflag:s19] =	ssyncset.done $0x0  }
0xeb: {  	[sflag:s19] =	ssyncadd.s32 $0xFFFFD400  }
0xec: {  	_ =	swait.ge [sflag:s25], $0x2C00  }
0xed: {  	[sflag:s25] =	ssyncset.done $0x0  }
0xee: {  	[sflag:s25] =	ssyncadd.s32 $0xFFFFD400  }
0xef: {  	[tilespmem:s26], [sflag:$0x3] =	stream.indirect.gather [hbm4b:s0+s22], $0x80, s30, s22, $0xb8;
	v63 =	vld [tilespmem:$0x0]  }
0xf0: {  	_ = 	snop  }
0xf1: {  	[spmem:s3] =	stream.indirect.scatter.add.f32 [tilespmem:s4], [sflag:$0x4], $0x80, s31, s22, $0xb8;
	v63 =	vld [tilespmem:$0x0]  }
0xf2: {  	_ =	swait.ge [sflag:s19], $0x2C00  }
0xf3: {  	[sflag:s19] =	ssyncset.done $0x0  }
0xf4: {  	[sflag:s19] =	ssyncadd.s32 $0xFFFFD400  }
0xf5: {  	_ =	swait.ge [sflag:s28], $0x2C00  }
0xf6: {  	[sflag:s28] =	ssyncset.done $0x0  }
0xf7: {  	[sflag:s28] =	ssyncadd.s32 $0xFFFFD400  }
0xf8: {  	[tilespmem:s4], [sflag:$0x1] =	stream.indirect.gather [hbm4b:s0+s22], $0x80, s30, s22, $0xb8;
	v63 =	vld [tilespmem:$0x0]  }
0xf9: {  	_ = 	snop  }
0xfa: {  	[spmem:s3] =	stream.indirect.scatter.add.f32 [tilespmem:s24], [sflag:$0x4], $0x80, s1, s22, $0xb8;
	v63 =	vld [tilespmem:$0x0]  }
0xfb: {  	_ =	swait.ge [sflag:s19], $0x2C00  }
0xfc: {  	[sflag:s19] =	ssyncset.done $0x0  }
0xfd: {  	[sflag:s19] =	ssyncadd.s32 $0xFFFFD400  }
0xfe: {  	_ =	swait.ge [sflag:s29], $0x2C00  }
0xff: {  	[sflag:s29] =	ssyncset.done $0x0  }
0x100: {  	[sflag:s29] =	ssyncadd.s32 $0xFFFFD400  }
0x101: {  	[tilespmem:s24], [sflag:$0x2] =	stream.indirect.gather [hbm4b:s0+s22], $0x80, s30, s22, $0xb8;
	v63 =	vld [tilespmem:$0x0]  }
0x102: {  	_ = 	snop  }
0x103: {  	[spmem:s3] =	stream.indirect.scatter.add.f32 [tilespmem:s26], [sflag:$0x4], $0x80, s2, s22, $0xb8;
	v63 =	vld [tilespmem:$0x0]  }
0x104: {  	_ =	swait.ge [sflag:s19], $0x2C00  }
0x105: {  	[sflag:s19] =	ssyncset.done $0x0  }
0x106: {  	[sflag:s19] =	ssyncadd.s32 $0xFFFFD400  }
0x107: {  	_ =	swait.ge [sflag:s25], $0x2C00  }
0x108: {  	[sflag:s25] =	ssyncset.done $0x0  }
0x109: {  	[sflag:s25] =	ssyncadd.s32 $0xFFFFD400  }
0x10a: {  	s7 =	stileid.u32;
	_ =	swait.ge [sflag:s28], $0x2C00  }
0x10b: {  	s8 =	sshrl.u32 s5, $0x3;
	s6 =	sadd.s32 $0x1, s6;
	[sflag:s28] =	ssyncset.done $0x0  }
0x10c: {  	s7 =	sshll.u32 s7, $0x6;
	p0 =	sne.s32 s6, s18;
	[sflag:s28] =	ssyncadd.s32 $0xFFFFD400  }
.Ltmp3:
0x10d: {  	s7 =	sor.u32 $0x1C04, s7;
	[bflag:$0x0] =	sbarrier.arrive $0xFFFF;
	(pc) =	sbr.rel @p0 .LBB2_1-.Ltmp3, $4  }
0x10e: {  	[hbm:s17], [sflag:s7] =	dma.local [spmem:s8], $0x2780  }
0x10f: {  	_ =	swait.ge [sflag:s19], $0x2780  }
0x110: {  	[sflag:s19] =	ssyncset.done $0x0  }
0x111: {  	[sflag:s19] =	ssyncadd.s32 $0xFFFFD880  }
0x112: {  	_ =	sfence.sel $0x180000  }
0x113: {  	[bflag:$0x0] =	sbarrier.arrive $0xFFFF  }
0x114: {  	_ =	strace $0x90000047  }
0x115: {  	s0 =	stileid.u32;
	[bflag:$0x2] =	sbarrier.arrive $0xFFFF  }
0x116: {  	p0 =	sne.s32 s0, $0x0;
	s0 =	rddreg [dreg:$0x4]  }
0x117: {  	s0 =	sadd.s32 @!p0 $0x100000, s0  }
0x118: {  	[sflag:s0] =	ssyncadd.tile.s32 @!p0 $0x1;
	_ =	shalt  }
.Lfunc_end2:
_tile_overlayer_lowered:
.L_overlay_start_2:
0x119: {  	(tag) =	ssettag $0x2  }
0x11a: {  	s0 =	rddreg [dreg:$0x0];
	s2 =	stileid.u32  }
0x11b: {  	s1 =	rddreg [dreg:$0x1];
	p0 =	sne.s32 s2, $0x0  }
0x11c: {  	s3 =	rddreg [dreg:$0x2];
	[bflag:$0x3] =	sbarrier.arrive $0xFFFF;
	s2 =	simm.s32 @!p0 $0x1C04  }
0x11d: {  	[timem:s3], [sflag:s2] =	dma.local @!p0 [hbm:s0], s1  }
0x11e: {  	s0 =	simm.s32 @!p0 $0x4  }
0x11f: {  	_ =	swait.ge @!p0 [sflag:s0], s1  }
0x120: {  	s1 =	ssub.s32 @!p0 $0x0, s1;
	[sflag:s0] =	ssyncset.done @!p0 $0x0  }
0x121: {  	[sflag:s0] =	ssyncadd.s32 @!p0 s1  }
0x122: {  	[bflag:$0x3] =	sbarrier.arrive $0xFFFF  }
0x123: {  	_ =	shalt  }

</sc_bundles>
